<compile_context>
chip_gen: v7x
topology: tpu7x:2x2x1
jax: 0.10.2.dev20260603
libtpu: 0.0.44.dev20260713+nightly
codegen_flags: <defaults>
</compile_context>

<pallas_src>
import functools

import jax
import jax.numpy as jnp
from jax import lax
from jax.experimental import pallas as pl
from jax.experimental.pallas import tpu as pltpu
from jax.experimental.pallas import tpu_sc as plsc

N_NODES = 10000
N_EDGES = 320000
NPAD = 10240
NT = 32
NSUB = 16
SLICE = NPAD // NSUB
EPC = N_EDGES // NSUB
EPT = N_EDGES // NT
L = 16

_RSQRT_MAGIC = 0x5F3759DF


def _zero_tables(refs):
    @plsc.parallel_loop(0, NPAD, step=L, unroll=8)
    def _(i):
        for r in refs:
            r[pl.ds(i, L)] = jnp.zeros((L,), jnp.float32)


def _sc_mega(src, dst, g0, g1):
    mesh = plsc.VectorSubcoreMesh(core_axis_name="c", subcore_axis_name="s")

    @functools.partial(
        pl.kernel,
        mesh=mesh,
        out_type=[
            jax.ShapeDtypeStruct((2, NPAD), jnp.float32),
            jax.ShapeDtypeStruct((2, NPAD), jnp.float32),
            jax.ShapeDtypeStruct((2, NPAD), jnp.float32),
            jax.ShapeDtypeStruct((NT, NPAD), jnp.float32),
            jax.ShapeDtypeStruct((NT, NPAD), jnp.float32),
        ],
        scratch_types=[
            pltpu.VMEM((EPC,), jnp.int32),
            pltpu.VMEM((EPT,), jnp.int32),
            pltpu.VMEM((NPAD,), jnp.float32),
            pltpu.VMEM((NPAD,), jnp.float32),
            pltpu.VMEM((NPAD,), jnp.float32),
            pltpu.VMEM((NPAD,), jnp.float32),
            pltpu.VMEM((NPAD,), jnp.float32),
            pltpu.VMEM((NPAD,), jnp.float32),
            pltpu.VMEM((SLICE,), jnp.float32),
            pltpu.VMEM((SLICE,), jnp.float32),
            pltpu.VMEM((SLICE,), jnp.float32),
            pltpu.VMEM_SHARED((NSUB, NPAD), jnp.float32),
            pltpu.VMEM_SHARED((NPAD,), jnp.float32),
            pltpu.VMEM_SHARED((NPAD,), jnp.float32),
        ],
        compiler_params=pltpu.CompilerParams(needs_layout_passes=False),
    )
    def mega(src_hbm, dst_hbm, g0_hbm, g1_hbm,
             dinv_hbm, gs0_hbm, gs1_hbm, o0_hbm, o1_hbm,
             d_v, s_v, deg, red, t0, t1, a0, a1,
             dv_s, g0s, g1s, sh_deg, sh_g0, sh_g1):
        sid = lax.axis_index("s")
        cid = lax.axis_index("c")

        _zero_tables([deg, a0, a1])
        dbase = pl.multiple_of(sid * EPC, 8)
        pltpu.sync_copy(dst_hbm.at[pl.ds(dbase, EPC)], d_v)
        ones = jnp.ones((L,), jnp.float32)

        @plsc.parallel_loop(0, EPC, step=L, unroll=8)
        def _(i):
            plsc.addupdate_scatter(deg, [d_v[pl.ds(i, L)]], ones)

        pltpu.sync_copy(deg, sh_deg.at[sid])
        plsc.subcore_barrier()

        off = pl.multiple_of(sid * SLICE, 8)
        for r in range(NSUB):
            pltpu.sync_copy(sh_deg.at[r, pl.ds(off, SLICE)],
                            red.at[pl.ds(r * SLICE, SLICE)])
        pltpu.sync_copy(g0_hbm.at[pl.ds(off, SLICE)], g0s)
        pltpu.sync_copy(g1_hbm.at[pl.ds(off, SLICE)], g1s)

        half = jnp.full((L,), 0.5, jnp.float32)
        three_half = jnp.full((L,), 1.5, jnp.float32)
        magic = jnp.full((L,), _RSQRT_MAGIC, jnp.int32)
        one_i = jnp.full((L,), 1, jnp.int32)

        @plsc.parallel_loop(0, SLICE, step=L, unroll=4)
        def _(j):
            s = red[pl.ds(j, L)]
            for r in range(1, NSUB):
                s = s + red[pl.ds(r * SLICE + j, L)]
            dd = s + 1.0
            y = plsc.bitcast(
                magic - lax.shift_right_logical(plsc.bitcast(dd, jnp.int32),
                                                one_i),
                jnp.float32)
            for _ in range(3):
                y = y * (three_half - half * dd * y * y)
            dv_s[pl.ds(j, L)] = y
            g0s[pl.ds(j, L)] = g0s[pl.ds(j, L)] * y
            g1s[pl.ds(j, L)] = g1s[pl.ds(j, L)] * y

        pltpu.sync_copy(g0s, sh_g0.at[pl.ds(off, SLICE)])
        pltpu.sync_copy(g1s, sh_g1.at[pl.ds(off, SLICE)])
        pltpu.sync_copy(dv_s, dinv_hbm.at[cid, pl.ds(off, SLICE)])
        pltpu.sync_copy(g0s, gs0_hbm.at[cid, pl.ds(off, SLICE)])
        pltpu.sync_copy(g1s, gs1_hbm.at[cid, pl.ds(off, SLICE)])
        plsc.subcore_barrier()
        pltpu.sync_copy(sh_g0, t0)
        pltpu.sync_copy(sh_g1, t1)

        sbase = pl.multiple_of(sid * EPC + cid * EPT, 8)
        pltpu.sync_copy(src_hbm.at[pl.ds(sbase, EPT)], s_v)
        soff = cid * EPT

        @plsc.parallel_loop(0, EPT, step=L, unroll=8)
        def _(i):
            s = s_v[pl.ds(i, L)]
            d = d_v[pl.ds(soff + i, L)]
            v0 = plsc.load_gather(t0, [s])
            plsc.addupdate_scatter(a0, [d], v0)
            v1 = plsc.load_gather(t1, [s])
            plsc.addupdate_scatter(a1, [d], v1)

        wid = cid * NSUB + sid
        pltpu.sync_copy(a0, o0_hbm.at[wid])
        pltpu.sync_copy(a1, o1_hbm.at[wid])

    return mega(src, dst, g0, g1)


def _tc_matmul(x, W1, W2, ei):
    def body(x_ref, w1_ref, w2_ref, e_ref, o0_ref, o1_ref, os_ref, od_ref):
        e = e_ref[...]
        os_ref[...] = e[0, :]
        od_ref[...] = e[1, :]
        wc = jnp.dot(w1_ref[...], w2_ref[...],
                     preferred_element_type=jnp.float32)
        gt = lax.dot_general(wc, x_ref[...], (((0,), (1,)), ((), ())),
                             preferred_element_type=jnp.float32)
        pad = jnp.zeros((1, NPAD - N_NODES), jnp.float32)
        o0_ref[...] = jnp.concatenate([gt[0:1, :], pad], axis=1)
        o1_ref[...] = jnp.concatenate([gt[1:2, :], pad], axis=1)

    return pl.pallas_call(
        body,
        out_shape=[
            jax.ShapeDtypeStruct((1, NPAD), jnp.float32),
            jax.ShapeDtypeStruct((1, NPAD), jnp.float32),
            jax.ShapeDtypeStruct((N_EDGES,), jnp.int32),
            jax.ShapeDtypeStruct((N_EDGES,), jnp.int32),
        ],
    )(x, W1, W2, ei)


def _tc_final(a0p, a1p, gs0, gs1, dinv2, b1r, W2, b2r):
    def body(a0_ref, a1_ref, gs0_ref, gs1_ref, dinv_ref, b1_ref, w2_ref,
             b2_ref, o_ref):
        bc = jnp.dot(b1_ref[...], w2_ref[...],
                     preferred_element_type=jnp.float32) + b2_ref[...]
        d = dinv_ref[0:1, :N_NODES]
        s0 = (jnp.sum(a0_ref[...], axis=0, keepdims=True)
              + gs0_ref[0:1, :])[:, :N_NODES]
        s1 = (jnp.sum(a1_ref[...], axis=0, keepdims=True)
              + gs1_ref[0:1, :])[:, :N_NODES]
        o_ref[...] = jnp.concatenate(
            [d * s0 + bc[:, 0:1], d * s1 + bc[:, 1:2]], axis=0)

    return pl.pallas_call(
        body,
        out_shape=jax.ShapeDtypeStruct((2, N_NODES), jnp.float32),
    )(a0p, a1p, gs0, gs1, dinv2, b1r, W2, b2r)


def kernel(x, edge_index, W1, b1, W2, b2):
    ei = edge_index.astype(jnp.int32)

    g0r, g1r, srcr, dstr = _tc_matmul(x, W1, W2, ei)
    dinv2, gs0, gs1, a0p, a1p = _sc_mega(
        srcr, dstr, g0r.reshape(NPAD), g1r.reshape(NPAD))

    out2 = _tc_final(a0p, a1p, gs0, gs1, dinv2,
                     b1.reshape(1, -1), W2, b2.reshape(1, -1))
    return out2.T

# --- scband reference (transcript-rebuilt; emitter-appended) ---
"""Pipeline reference for scband-in-fo-rm-gnn-90374701843050 (READ-ONLY COPY).

The authoritative reference and input builder live on the scoring server;
editing this copy changes nothing except your own understanding.
"""

import jax, jax.numpy as jnp
import numpy as np

N_NODES = 10000
N_EDGES = 320000
NFEAT = 128
NHID = 128
NCLASS = 2


def setup_inputs(seed: int = 0) -> dict:
    key = jax.random.key(seed)
    k1, k2, k3, k4, k5, k6 = jax.random.split(key, 6)
    x = jax.random.normal(k1, (N_NODES, NFEAT), dtype=jnp.float32)
    edge_index = jax.random.randint(k2, (2, N_EDGES), 0, N_NODES, dtype=jnp.int64)
    # GCNConv weight (xavier-ish scaling) and bias
    W1 = jax.random.normal(k3, (NFEAT, NHID), dtype=jnp.float32) * (1.0 / np.sqrt(NFEAT))
    b1 = jnp.zeros((NHID,), dtype=jnp.float32)
    # final linear classifier fc: nhid -> nclass
    W2 = jax.random.normal(k4, (NHID, NCLASS), dtype=jnp.float32) * (1.0 / np.sqrt(NHID))
    b2 = jnp.zeros((NCLASS,), dtype=jnp.float32)
    return {"x": x, "edge_index": edge_index, "W1": W1, "b1": b1, "W2": W2, "b2": b2}


def _gcn_conv(x, edge_index, W, b):
    N = x.shape[0]
    # add self loops (GCNConv default)
    loop = jnp.arange(N, dtype=edge_index.dtype)
    src = jnp.concatenate([edge_index[0], loop])
    dst = jnp.concatenate([edge_index[1], loop])
    # symmetric degree normalization D^{-1/2} (A+I) D^{-1/2}
    deg = jnp.zeros((N,), dtype=x.dtype).at[dst].add(1.0)
    deg_inv_sqrt = jnp.where(deg > 0, jax.lax.rsqrt(jnp.maximum(deg, 1e-12)), 0.0)
    norm = deg_inv_sqrt[src] * deg_inv_sqrt[dst]
    h = x @ W
    msg = h[src] * norm[:, None]
    out = jnp.zeros((N, W.shape[1]), dtype=x.dtype).at[dst].add(msg)
    return out + b


def reference(x, edge_index, W1, b1, W2, b2):
    # InFoRM_GNN (GCN backbone): body = GCNConv(nfeat, nhid); fc = Linear(nhid, nclass)
    h = _gcn_conv(x, edge_index, W1, b1)
    out = h @ W2 + b2
    return out

if __name__ == "__main__":
    import jax
    _d = setup_inputs()
    print(jax.jit(kernel)(*tuple(_d.values())))

</pallas_src>

<mosaic_0001>
#map = affine_map<(d0, d1) -> (0)>
#map1 = affine_map<(d0, d1) -> (0, 0)>
module attributes {stable_mosaic.version = 14 : i64} {
  func.func @mega(%arg0: i32, %arg1: i32, %arg2: memref<320000xi32, #tpu.memory_space<hbm>>, %arg3: memref<320000xi32, #tpu.memory_space<hbm>>, %arg4: memref<10240xf32, #tpu.memory_space<hbm>>, %arg5: memref<10240xf32, #tpu.memory_space<hbm>>, %arg6: memref<2x10240xf32, #tpu.memory_space<hbm>>, %arg7: memref<2x10240xf32, #tpu.memory_space<hbm>>, %arg8: memref<2x10240xf32, #tpu.memory_space<hbm>>, %arg9: memref<32x10240xf32, #tpu.memory_space<hbm>>, %arg10: memref<32x10240xf32, #tpu.memory_space<hbm>>, %arg11: memref<20000xi32, #tpu.memory_space<vmem>>, %arg12: memref<10000xi32, #tpu.memory_space<vmem>>, %arg13: memref<10240xf32, #tpu.memory_space<vmem>>, %arg14: memref<10240xf32, #tpu.memory_space<vmem>>, %arg15: memref<10240xf32, #tpu.memory_space<vmem>>, %arg16: memref<10240xf32, #tpu.memory_space<vmem>>, %arg17: memref<10240xf32, #tpu.memory_space<vmem>>, %arg18: memref<10240xf32, #tpu.memory_space<vmem>>, %arg19: memref<640xf32, #tpu.memory_space<vmem>>, %arg20: memref<640xf32, #tpu.memory_space<vmem>>, %arg21: memref<640xf32, #tpu.memory_space<vmem>>, %arg22: memref<16x10240xf32, #tpu.memory_space<vmem_shared>>, %arg23: memref<10240xf32, #tpu.memory_space<vmem_shared>>, %arg24: memref<10240xf32, #tpu.memory_space<vmem_shared>>) attributes {dimension_semantics = [#tpu.dimension_semantics<core_parallel>, #tpu.dimension_semantics<subcore_parallel>], iteration_bounds = array<i64: 2, 16>, scalar_prefetch = 0 : i64, scratch_operands = 14 : i64, tpu.core_type = #tpu.core_type<sc_vector_subcore>, window_params = [{transform_indices = #map}, {transform_indices = #map}, {transform_indices = #map}, {transform_indices = #map}, {transform_indices = #map1}, {transform_indices = #map1}, {transform_indices = #map1}, {transform_indices = #map1}, {transform_indices = #map1}]} {
    %parallel_loop3A = arith.constant 0 : i32
    %parallel_loop3A_0 = arith.constant 10240 : i32
    %parallel_loop3A_1 = arith.constant 16 : i32
    scf.for %parallel_loop3A_50 = %parallel_loop3A to %parallel_loop3A_0 step %parallel_loop3A_1  : i32 {
      %parallel_loop3A_51 = arith.constant 0.000000e+00 : f32
      %parallel_loop3A_52 = vector.broadcast %parallel_loop3A_51 : f32 to vector<16xf32>
      %parallel_loop3A_53 = arith.index_cast %parallel_loop3A_50 : i32 to index
      %parallel_loop3A_54 = tpu.vector_load %arg13[%parallel_loop3A_53] {strides = array<i32>} : memref<10240xf32, #tpu.memory_space<vmem>>, vector<16xf32>,
      tpu.vector_store %arg13[%parallel_loop3A_53], %parallel_loop3A_52 {strides = array<i32>} : memref<10240xf32, #tpu.memory_space<vmem>>, vector<16xf32>,
      %parallel_loop3A_55 = arith.constant 0.000000e+00 : f32
      %parallel_loop3A_56 = vector.broadcast %parallel_loop3A_55 : f32 to vector<16xf32>
      %parallel_loop3A_57 = arith.index_cast %parallel_loop3A_50 : i32 to index
      %parallel_loop3A_58 = tpu.vector_load %arg17[%parallel_loop3A_57] {strides = array<i32>} : memref<10240xf32, #tpu.memory_space<vmem>>, vector<16xf32>,
      tpu.vector_store %arg17[%parallel_loop3A_57], %parallel_loop3A_56 {strides = array<i32>} : memref<10240xf32, #tpu.memory_space<vmem>>, vector<16xf32>,
      %parallel_loop3A_59 = arith.constant 0.000000e+00 : f32
      %parallel_loop3A_60 = vector.broadcast %parallel_loop3A_59 : f32 to vector<16xf32>
      %parallel_loop3A_61 = arith.index_cast %parallel_loop3A_50 : i32 to index
      %parallel_loop3A_62 = tpu.vector_load %arg18[%parallel_loop3A_61] {strides = array<i32>} : memref<10240xf32, #tpu.memory_space<vmem>>, vector<16xf32>,
      tpu.vector_store %arg18[%parallel_loop3A_61], %parallel_loop3A_60 {strides = array<i32>} : memref<10240xf32, #tpu.memory_space<vmem>>, vector<16xf32>,
    } {sc.loop_unroll_factor = 8 : i64, sc.parallel_access}
    %mul3A = arith.constant 20000 : i32
    %mul3A_2 = arith.muli %arg1, %mul3A : i32
    %multiple_of3A = tpu.assume_multiple %mul3A_2, 8 : i32
    "tpu.region"() ({
      %run_scoped3A_50 = tpu.sem_alloc : memref<!tpu.dma_semaphore, #tpu.memory_space<semaphore_mem>>
      %dma_start3A = tpu.memref_slice %arg3[%multiple_of3A] : memref<320000xi32, #tpu.memory_space<hbm>> -> memref<20000xi32, #tpu.memory_space<hbm>>
      %dma_start3A_51 = tpu.memref_slice %arg3[%multiple_of3A] : memref<320000xi32, #tpu.memory_space<hbm>> -> memref<20000xi32, #tpu.memory_space<hbm>>
      tpu.enqueue_dma source(%dma_start3A_51 : memref<20000xi32, #tpu.memory_space<hbm>>) target(%arg11 : memref<20000xi32, #tpu.memory_space<vmem>>) target_semaphore(%run_scoped3A_50 : memref<!tpu.dma_semaphore, #tpu.memory_space<semaphore_mem>>)
      %dma_wait3A = tpu.memref_slice %arg3[%multiple_of3A] : memref<320000xi32, #tpu.memory_space<hbm>> -> memref<20000xi32, #tpu.memory_space<hbm>>
      %dma_wait3A_52 = tpu.memref_slice %arg3[%multiple_of3A] : memref<320000xi32, #tpu.memory_space<hbm>> -> memref<20000xi32, #tpu.memory_space<hbm>>
      tpu.wait_dma2 semaphore(%run_scoped3A_50 : memref<!tpu.dma_semaphore, #tpu.memory_space<semaphore_mem>>) src(%dma_wait3A_52 : memref<20000xi32, #tpu.memory_space<hbm>>) dst(%arg11 : memref<20000xi32, #tpu.memory_space<vmem>>)
      tpu.yield
    }) : () -> ()
    %broadcast_in_dim3A = arith.constant 1.000000e+00 : f32
    %broadcast_in_dim3A_3 = vector.broadcast %broadcast_in_dim3A : f32 to vector<16xf32>
    %parallel_loop3A_4 = arith.constant 0 : i32
    %parallel_loop3A_5 = arith.constant 20000 : i32
    %parallel_loop3A_6 = arith.constant 16 : i32
    scf.for %parallel_loop3A_50 = %parallel_loop3A_4 to %parallel_loop3A_5 step %parallel_loop3A_6  : i32 {
      %parallel_loop3A_51 = arith.index_cast %parallel_loop3A_50 : i32 to index
      %parallel_loop3A_52 = tpu.vector_load %arg11[%parallel_loop3A_51] {strides = array<i32>} : memref<20000xi32, #tpu.memory_space<vmem>>, vector<16xi32>,
      tpu.vector_store_idx %arg13[%parallel_loop3A_52], %broadcast_in_dim3A_3 {add = true} : memref<10240xf32, #tpu.memory_space<vmem>>[vector<16xi32>], vector<16xf32>,
    } {sc.loop_unroll_factor = 8 : i64, sc.parallel_access}
    "tpu.region"() ({
      %run_scoped3A_50 = tpu.sem_alloc : memref<!tpu.dma_semaphore, #tpu.memory_space<semaphore_mem>>
      %dma_start3A = arith.constant 0 : i32
      %dma_start3A_51 = tpu.memref_slice %arg22[%arg1, %dma_start3A] : memref<16x10240xf32, #tpu.memory_space<vmem_shared>> -> memref<1x10240xf32, #tpu.memory_space<vmem_shared>>
      %dma_start3A_52 = tpu.memref_squeeze %dma_start3A_51 : memref<1x10240xf32, #tpu.memory_space<vmem_shared>> -> memref<10240xf32, #tpu.memory_space<vmem_shared>>
      %dma_start3A_53 = arith.constant 0 : i32
      %dma_start3A_54 = tpu.memref_slice %arg22[%arg1, %dma_start3A_53] : memref<16x10240xf32, #tpu.memory_space<vmem_shared>> -> memref<1x10240xf32, #tpu.memory_space<vmem_shared>>
      %dma_start3A_55 = tpu.memref_squeeze %dma_start3A_54 : memref<1x10240xf32, #tpu.memory_space<vmem_shared>> -> memref<10240xf32, #tpu.memory_space<vmem_shared>>
      tpu.enqueue_dma source(%arg13 : memref<10240xf32, #tpu.memory_space<vmem>>) target(%dma_start3A_55 : memref<10240xf32, #tpu.memory_space<vmem_shared>>) target_semaphore(%run_scoped3A_50 : memref<!tpu.dma_semaphore, #tpu.memory_space<semaphore_mem>>)
      %dma_wait3A = arith.constant 0 : i32
      %dma_wait3A_56 = tpu.memref_slice %arg22[%arg1, %dma_wait3A] : memref<16x10240xf32, #tpu.memory_space<vmem_shared>> -> memref<1x10240xf32, #tpu.memory_space<vmem_shared>>
      %dma_wait3A_57 = tpu.memref_squeeze %dma_wait3A_56 : memref<1x10240xf32, #tpu.memory_space<vmem_shared>> -> memref<10240xf32, #tpu.memory_space<vmem_shared>>
      %dma_wait3A_58 = arith.constant 0 : i32
      %dma_wait3A_59 = tpu.memref_slice %arg22[%arg1, %dma_wait3A_58] : memref<16x10240xf32, #tpu.memory_space<vmem_shared>> -> memref<1x10240xf32, #tpu.memory_space<vmem_shared>>
      %dma_wait3A_60 = tpu.memref_squeeze %dma_wait3A_59 : memref<1x10240xf32, #tpu.memory_space<vmem_shared>> -> memref<10240xf32, #tpu.memory_space<vmem_shared>>
      tpu.wait_dma2 semaphore(%run_scoped3A_50 : memref<!tpu.dma_semaphore, #tpu.memory_space<semaphore_mem>>) src(%arg13 : memref<10240xf32, #tpu.memory_space<vmem>>) dst(%dma_wait3A_60 : memref<10240xf32, #tpu.memory_space<vmem_shared>>)
      tpu.yield
    }) : () -> ()
    %barrier3A = arith.constant 0 : index
    tpu.barrier barrier_id(%barrier3A)
    %mul3A_7 = arith.constant 640 : i32
    %mul3A_8 = arith.muli %arg1, %mul3A_7 : i32
    %multiple_of3A_9 = tpu.assume_multiple %mul3A_8, 8 : i32
    %run_scoped3A = arith.constant 0 : i32
    "tpu.region"() ({
      %run_scoped3A_50 = tpu.sem_alloc : memref<!tpu.dma_semaphore, #tpu.memory_space<semaphore_mem>>
      %dma_start3A = arith.constant 0 : i32
      %dma_start3A_51 = tpu.memref_slice %arg14[%dma_start3A] : memref<10240xf32, #tpu.memory_space<vmem>> -> memref<640xf32, #tpu.memory_space<vmem>>
      %dma_start3A_52 = tpu.memref_slice %arg22[%run_scoped3A, %multiple_of3A_9] : memref<16x10240xf32, #tpu.memory_space<vmem_shared>> -> memref<1x640xf32, #tpu.memory_space<vmem_shared>>
      %dma_start3A_53 = tpu.memref_squeeze %dma_start3A_52 : memref<1x640xf32, #tpu.memory_space<vmem_shared>> -> memref<640xf32, #tpu.memory_space<vmem_shared>>
      %dma_start3A_54 = arith.constant 0 : i32
      %dma_start3A_55 = tpu.memref_slice %arg14[%dma_start3A_54] : memref<10240xf32, #tpu.memory_space<vmem>> -> memref<640xf32, #tpu.memory_space<vmem>>
      %dma_start3A_56 = tpu.memref_slice %arg22[%run_scoped3A, %multiple_of3A_9] : memref<16x10240xf32, #tpu.memory_space<vmem_shared>> -> memref<1x640xf32, #tpu.memory_space<vmem_shared>>
      %dma_start3A_57 = tpu.memref_squeeze %dma_start3A_56 : memref<1x640xf32, #tpu.memory_space<vmem_shared>> -> memref<640xf32, #tpu.memory_space<vmem_shared>>
      tpu.enqueue_dma source(%dma_start3A_57 : memref<640xf32, #tpu.memory_space<vmem_shared>>) target(%dma_start3A_55 : memref<640xf32, #tpu.memory_space<vmem>>) target_semaphore(%run_scoped3A_50 : memref<!tpu.dma_semaphore, #tpu.memory_space<semaphore_mem>>)
      %dma_wait3A = arith.constant 0 : i32
      %dma_wait3A_58 = tpu.memref_slice %arg14[%dma_wait3A] : memref<10240xf32, #tpu.memory_space<vmem>> -> memref<640xf32, #tpu.memory_space<vmem>>
      %dma_wait3A_59 = tpu.memref_slice %arg22[%run_scoped3A, %multiple_of3A_9] : memref<16x10240xf32, #tpu.memory_space<vmem_shared>> -> memref<1x640xf32, #tpu.memory_space<vmem_shared>>
      %dma_wait3A_60 = tpu.memref_squeeze %dma_wait3A_59 : memref<1x640xf32, #tpu.memory_space<vmem_shared>> -> memref<640xf32, #tpu.memory_space<vmem_shared>>
      %dma_wait3A_61 = arith.constant 0 : i32
      %dma_wait3A_62 = tpu.memref_slice %arg14[%dma_wait3A_61] : memref<10240xf32, #tpu.memory_space<vmem>> -> memref<640xf32, #tpu.memory_space<vmem>>
      %dma_wait3A_63 = tpu.memref_slice %arg22[%run_scoped3A, %multiple_of3A_9] : memref<16x10240xf32, #tpu.memory_space<vmem_shared>> -> memref<1x640xf32, #tpu.memory_space<vmem_shared>>
      %dma_wait3A_64 = tpu.memref_squeeze %dma_wait3A_63 : memref<1x640xf32, #tpu.memory_space<vmem_shared>> -> memref<640xf32, #tpu.memory_space<vmem_shared>>
      tpu.wait_dma2 semaphore(%run_scoped3A_50 : memref<!tpu.dma_semaphore, #tpu.memory_space<semaphore_mem>>) src(%dma_wait3A_64 : memref<640xf32, #tpu.memory_space<vmem_shared>>) dst(%dma_wait3A_62 : memref<640xf32, #tpu.memory_space<vmem>>)
      tpu.yield
    }) : () -> ()
    %run_scoped3A_10 = arith.constant 1 : i32
    "tpu.region"() ({
      %run_scoped3A_50 = tpu.sem_alloc : memref<!tpu.dma_semaphore, #tpu.memory_space<semaphore_mem>>
      %dma_start3A = arith.constant 640 : i32
      %dma_start3A_51 = tpu.memref_slice %arg14[%dma_start3A] : memref<10240xf32, #tpu.memory_space<vmem>> -> memref<640xf32, #tpu.memory_space<vmem>>
      %dma_start3A_52 = tpu.memref_slice %arg22[%run_scoped3A_10, %multiple_of3A_9] : memref<16x10240xf32, #tpu.memory_space<vmem_shared>> -> memref<1x640xf32, #tpu.memory_space<vmem_shared>>
      %dma_start3A_53 = tpu.memref_squeeze %dma_start3A_52 : memref<1x640xf32, #tpu.memory_space<vmem_shared>> -> memref<640xf32, #tpu.memory_space<vmem_shared>>
      %dma_start3A_54 = arith.constant 640 : i32
      %dma_start3A_55 = tpu.memref_slice %arg14[%dma_start3A_54] : memref<10240xf32, #tpu.memory_space<vmem>> -> memref<640xf32, #tpu.memory_space<vmem>>
      %dma_start3A_56 = tpu.memref_slice %arg22[%run_scoped3A_10, %multiple_of3A_9] : memref<16x10240xf32, #tpu.memory_space<vmem_shared>> -> memref<1x640xf32, #tpu.memory_space<vmem_shared>>
      %dma_start3A_57 = tpu.memref_squeeze %dma_start3A_56 : memref<1x640xf32, #tpu.memory_space<vmem_shared>> -> memref<640xf32, #tpu.memory_space<vmem_shared>>
      tpu.enqueue_dma source(%dma_start3A_57 : memref<640xf32, #tpu.memory_space<vmem_shared>>) target(%dma_start3A_55 : memref<640xf32, #tpu.memory_space<vmem>>) target_semaphore(%run_scoped3A_50 : memref<!tpu.dma_semaphore, #tpu.memory_space<semaphore_mem>>)
      %dma_wait3A = arith.constant 640 : i32
      %dma_wait3A_58 = tpu.memref_slice %arg14[%dma_wait3A] : memref<10240xf32, #tpu.memory_space<vmem>> -> memref<640xf32, #tpu.memory_space<vmem>>
      %dma_wait3A_59 = tpu.memref_slice %arg22[%run_scoped3A_10, %multiple_of3A_9] : memref<16x10240xf32, #tpu.memory_space<vmem_shared>> -> memref<1x640xf32, #tpu.memory_space<vmem_shared>>
      %dma_wait3A_60 = tpu.memref_squeeze %dma_wait3A_59 : memref<1x640xf32, #tpu.memory_space<vmem_shared>> -> memref<640xf32, #tpu.memory_space<vmem_shared>>
      %dma_wait3A_61 = arith.constant 640 : i32
      %dma_wait3A_62 = tpu.memref_slice %arg14[%dma_wait3A_61] : memref<10240xf32, #tpu.memory_space<vmem>> -> memref<640xf32, #tpu.memory_space<vmem>>
      %dma_wait3A_63 = tpu.memref_slice %arg22[%run_scoped3A_10, %multiple_of3A_9] : memref<16x10240xf32, #tpu.memory_space<vmem_shared>> -> memref<1x640xf32, #tpu.memory_space<vmem_shared>>
      %dma_wait3A_64 = tpu.memref_squeeze %dma_wait3A_63 : memref<1x640xf32, #tpu.memory_space<vmem_shared>> -> memref<640xf32, #tpu.memory_space<vmem_shared>>
      tpu.wait_dma2 semaphore(%run_scoped3A_50 : memref<!tpu.dma_semaphore, #tpu.memory_space<semaphore_mem>>) src(%dma_wait3A_64 : memref<640xf32, #tpu.memory_space<vmem_shared>>) dst(%dma_wait3A_62 : memref<640xf32, #tpu.memory_space<vmem>>)
      tpu.yield
    }) : () -> ()
    %run_scoped3A_11 = arith.constant 2 : i32
    "tpu.region"() ({
      %run_scoped3A_50 = tpu.sem_alloc : memref<!tpu.dma_semaphore, #tpu.memory_space<semaphore_mem>>
      %dma_start3A = arith.constant 1280 : i32
      %dma_start3A_51 = tpu.memref_slice %arg14[%dma_start3A] : memref<10240xf32, #tpu.memory_space<vmem>> -> memref<640xf32, #tpu.memory_space<vmem>>
      %dma_start3A_52 = tpu.memref_slice %arg22[%run_scoped3A_11, %multiple_of3A_9] : memref<16x10240xf32, #tpu.memory_space<vmem_shared>> -> memref<1x640xf32, #tpu.memory_space<vmem_shared>>
      %dma_start3A_53 = tpu.memref_squeeze %dma_start3A_52 : memref<1x640xf32, #tpu.memory_space<vmem_shared>> -> memref<640xf32, #tpu.memory_space<vmem_shared>>
      %dma_start3A_54 = arith.constant 1280 : i32
      %dma_start3A_55 = tpu.memref_slice %arg14[%dma_start3A_54] : memref<10240xf32, #tpu.memory_space<vmem>> -> memref<640xf32, #tpu.memory_space<vmem>>
      %dma_start3A_56 = tpu.memref_slice %arg22[%run_scoped3A_11, %multiple_of3A_9] : memref<16x10240xf32, #tpu.memory_space<vmem_shared>> -> memref<1x640xf32, #tpu.memory_space<vmem_shared>>
      %dma_start3A_57 = tpu.memref_squeeze %dma_start3A_56 : memref<1x640xf32, #tpu.memory_space<vmem_shared>> -> memref<640xf32, #tpu.memory_space<vmem_shared>>
      tpu.enqueue_dma source(%dma_start3A_57 : memref<640xf32, #tpu.memory_space<vmem_shared>>) target(%dma_start3A_55 : memref<640xf32, #tpu.memory_space<vmem>>) target_semaphore(%run_scoped3A_50 : memref<!tpu.dma_semaphore, #tpu.memory_space<semaphore_mem>>)
      %dma_wait3A = arith.constant 1280 : i32
      %dma_wait3A_58 = tpu.memref_slice %arg14[%dma_wait3A] : memref<10240xf32, #tpu.memory_space<vmem>> -> memref<640xf32, #tpu.memory_space<vmem>>
      %dma_wait3A_59 = tpu.memref_slice %arg22[%run_scoped3A_11, %multiple_of3A_9] : memref<16x10240xf32, #tpu.memory_space<vmem_shared>> -> memref<1x640xf32, #tpu.memory_space<vmem_shared>>
      %dma_wait3A_60 = tpu.memref_squeeze %dma_wait3A_59 : memref<1x640xf32, #tpu.memory_space<vmem_shared>> -> memref<640xf32, #tpu.memory_space<vmem_shared>>
      %dma_wait3A_61 = arith.constant 1280 : i32
      %dma_wait3A_62 = tpu.memref_slice %arg14[%dma_wait3A_61] : memref<10240xf32, #tpu.memory_space<vmem>> -> memref<640xf32, #tpu.memory_space<vmem>>
      %dma_wait3A_63 = tpu.memref_slice %arg22[%run_scoped3A_11, %multiple_of3A_9] : memref<16x10240xf32, #tpu.memory_space<vmem_shared>> -> memref<1x640xf32, #tpu.memory_space<vmem_shared>>
      %dma_wait3A_64 = tpu.memref_squeeze %dma_wait3A_63 : memref<1x640xf32, #tpu.memory_space<vmem_shared>> -> memref<640xf32, #tpu.memory_space<vmem_shared>>
      tpu.wait_dma2 semaphore(%run_scoped3A_50 : memref<!tpu.dma_semaphore, #tpu.memory_space<semaphore_mem>>) src(%dma_wait3A_64 : memref<640xf32, #tpu.memory_space<vmem_shared>>) dst(%dma_wait3A_62 : memref<640xf32, #tpu.memory_space<vmem>>)
      tpu.yield
    }) : () -> ()
    %run_scoped3A_12 = arith.constant 3 : i32
    "tpu.region"() ({
      %run_scoped3A_50 = tpu.sem_alloc : memref<!tpu.dma_semaphore, #tpu.memory_space<semaphore_mem>>
      %dma_start3A = arith.constant 1920 : i32
      %dma_start3A_51 = tpu.memref_slice %arg14[%dma_start3A] : memref<10240xf32, #tpu.memory_space<vmem>> -> memref<640xf32, #tpu.memory_space<vmem>>
      %dma_start3A_52 = tpu.memref_slice %arg22[%run_scoped3A_12, %multiple_of3A_9] : memref<16x10240xf32, #tpu.memory_space<vmem_shared>> -> memref<1x640xf32, #tpu.memory_space<vmem_shared>>
      %dma_start3A_53 = tpu.memref_squeeze %dma_start3A_52 : memref<1x640xf32, #tpu.memory_space<vmem_shared>> -> memref<640xf32, #tpu.memory_space<vmem_shared>>
      %dma_start3A_54 = arith.constant 1920 : i32
      %dma_start3A_55 = tpu.memref_slice %arg14[%dma_start3A_54] : memref<10240xf32, #tpu.memory_space<vmem>> -> memref<640xf32, #tpu.memory_space<vmem>>
      %dma_start3A_56 = tpu.memref_slice %arg22[%run_scoped3A_12, %multiple_of3A_9] : memref<16x10240xf32, #tpu.memory_space<vmem_shared>> -> memref<1x640xf32, #tpu.memory_space<vmem_shared>>
      %dma_start3A_57 = tpu.memref_squeeze %dma_start3A_56 : memref<1x640xf32, #tpu.memory_space<vmem_shared>> -> memref<640xf32, #tpu.memory_space<vmem_shared>>
      tpu.enqueue_dma source(%dma_start3A_57 : memref<640xf32, #tpu.memory_space<vmem_shared>>) target(%dma_start3A_55 : memref<640xf32, #tpu.memory_space<vmem>>) target_semaphore(%run_scoped3A_50 : memref<!tpu.dma_semaphore, #tpu.memory_space<semaphore_mem>>)
      %dma_wait3A = arith.constant 1920 : i32
      %dma_wait3A_58 = tpu.memref_slice %arg14[%dma_wait3A] : memref<10240xf32, #tpu.memory_space<vmem>> -> memref<640xf32, #tpu.memory_space<vmem>>
      %dma_wait3A_59 = tpu.memref_slice %arg22[%run_scoped3A_12, %multiple_of3A_9] : memref<16x10240xf32, #tpu.memory_space<vmem_shared>> -> memref<1x640xf32, #tpu.memory_space<vmem_shared>>
      %dma_wait3A_60 = tpu.memref_squeeze %dma_wait3A_59 : memref<1x640xf32, #tpu.memory_space<vmem_shared>> -> memref<640xf32, #tpu.memory_space<vmem_shared>>
      %dma_wait3A_61 = arith.constant 1920 : i32
      %dma_wait3A_62 = tpu.memref_slice %arg14[%dma_wait3A_61] : memref<10240xf32, #tpu.memory_space<vmem>> -> memref<640xf32, #tpu.memory_space<vmem>>
      %dma_wait3A_63 = tpu.memref_slice %arg22[%run_scoped3A_12, %multiple_of3A_9] : memref<16x10240xf32, #tpu.memory_space<vmem_shared>> -> memref<1x640xf32, #tpu.memory_space<vmem_shared>>
      %dma_wait3A_64 = tpu.memref_squeeze %dma_wait3A_63 : memref<1x640xf32, #tpu.memory_space<vmem_shared>> -> memref<640xf32, #tpu.memory_space<vmem_shared>>
      tpu.wait_dma2 semaphore(%run_scoped3A_50 : memref<!tpu.dma_semaphore, #tpu.memory_space<semaphore_mem>>) src(%dma_wait3A_64 : memref<640xf32, #tpu.memory_space<vmem_shared>>) dst(%dma_wait3A_62 : memref<640xf32, #tpu.memory_space<vmem>>)
      tpu.yield
    }) : () -> ()
    %run_scoped3A_13 = arith.constant 4 : i32
    "tpu.region"() ({
      %run_scoped3A_50 = tpu.sem_alloc : memref<!tpu.dma_semaphore, #tpu.memory_space<semaphore_mem>>
      %dma_start3A = arith.constant 2560 : i32
      %dma_start3A_51 = tpu.memref_slice %arg14[%dma_start3A] : memref<10240xf32, #tpu.memory_space<vmem>> -> memref<640xf32, #tpu.memory_space<vmem>>
      %dma_start3A_52 = tpu.memref_slice %arg22[%run_scoped3A_13, %multiple_of3A_9] : memref<16x10240xf32, #tpu.memory_space<vmem_shared>> -> memref<1x640xf32, #tpu.memory_space<vmem_shared>>
      %dma_start3A_53 = tpu.memref_squeeze %dma_start3A_52 : memref<1x640xf32, #tpu.memory_space<vmem_shared>> -> memref<640xf32, #tpu.memory_space<vmem_shared>>
      %dma_start3A_54 = arith.constant 2560 : i32
      %dma_start3A_55 = tpu.memref_slice %arg14[%dma_start3A_54] : memref<10240xf32, #tpu.memory_space<vmem>> -> memref<640xf32, #tpu.memory_space<vmem>>
      %dma_start3A_56 = tpu.memref_slice %arg22[%run_scoped3A_13, %multiple_of3A_9] : memref<16x10240xf32, #tpu.memory_space<vmem_shared>> -> memref<1x640xf32, #tpu.memory_space<vmem_shared>>
      %dma_start3A_57 = tpu.memref_squeeze %dma_start3A_56 : memref<1x640xf32, #tpu.memory_space<vmem_shared>> -> memref<640xf32, #tpu.memory_space<vmem_shared>>
      tpu.enqueue_dma source(%dma_start3A_57 : memref<640xf32, #tpu.memory_space<vmem_shared>>) target(%dma_start3A_55 : memref<640xf32, #tpu.memory_space<vmem>>) target_semaphore(%run_scoped3A_50 : memref<!tpu.dma_semaphore, #tpu.memory_space<semaphore_mem>>)
      %dma_wait3A = arith.constant 2560 : i32
      %dma_wait3A_58 = tpu.memref_slice %arg14[%dma_wait3A] : memref<10240xf32, #tpu.memory_space<vmem>> -> memref<640xf32, #tpu.memory_space<vmem>>
      %dma_wait3A_59 = tpu.memref_slice %arg22[%run_scoped3A_13, %multiple_of3A_9] : memref<16x10240xf32, #tpu.memory_space<vmem_shared>> -> memref<1x640xf32, #tpu.memory_space<vmem_shared>>
      %dma_wait3A_60 = tpu.memref_squeeze %dma_wait3A_59 : memref<1x640xf32, #tpu.memory_space<vmem_shared>> -> memref<640xf32, #tpu.memory_space<vmem_shared>>
      %dma_wait3A_61 = arith.constant 2560 : i32
      %dma_wait3A_62 = tpu.memref_slice %arg14[%dma_wait3A_61] : memref<10240xf32, #tpu.memory_space<vmem>> -> memref<640xf32, #tpu.memory_space<vmem>>
      %dma_wait3A_63 = tpu.memref_slice %arg22[%run_scoped3A_13, %multiple_of3A_9] : memref<16x10240xf32, #tpu.memory_space<vmem_shared>> -> memref<1x640xf32, #tpu.memory_space<vmem_shared>>
      %dma_wait3A_64 = tpu.memref_squeeze %dma_wait3A_63 : memref<1x640xf32, #tpu.memory_space<vmem_shared>> -> memref<640xf32, #tpu.memory_space<vmem_shared>>
      tpu.wait_dma2 semaphore(%run_scoped3A_50 : memref<!tpu.dma_semaphore, #tpu.memory_space<semaphore_mem>>) src(%dma_wait3A_64 : memref<640xf32, #tpu.memory_space<vmem_shared>>) dst(%dma_wait3A_62 : memref<640xf32, #tpu.memory_space<vmem>>)
      tpu.yield
    }) : () -> ()
    %run_scoped3A_14 = arith.constant 5 : i32
    "tpu.region"() ({
      %run_scoped3A_50 = tpu.sem_alloc : memref<!tpu.dma_semaphore, #tpu.memory_space<semaphore_mem>>
      %dma_start3A = arith.constant 3200 : i32
      %dma_start3A_51 = tpu.memref_slice %arg14[%dma_start3A] : memref<10240xf32, #tpu.memory_space<vmem>> -> memref<640xf32, #tpu.memory_space<vmem>>
      %dma_start3A_52 = tpu.memref_slice %arg22[%run_scoped3A_14, %multiple_of3A_9] : memref<16x10240xf32, #tpu.memory_space<vmem_shared>> -> memref<1x640xf32, #tpu.memory_space<vmem_shared>>
      %dma_start3A_53 = tpu.memref_squeeze %dma_start3A_52 : memref<1x640xf32, #tpu.memory_space<vmem_shared>> -> memref<640xf32, #tpu.memory_space<vmem_shared>>
      %dma_start3A_54 = arith.constant 3200 : i32
      %dma_start3A_55 = tpu.memref_slice %arg14[%dma_start3A_54] : memref<10240xf32, #tpu.memory_space<vmem>> -> memref<640xf32, #tpu.memory_space<vmem>>
      %dma_start3A_56 = tpu.memref_slice %arg22[%run_scoped3A_14, %multiple_of3A_9] : memref<16x10240xf32, #tpu.memory_space<vmem_shared>> -> memref<1x640xf32, #tpu.memory_space<vmem_shared>>
      %dma_start3A_57 = tpu.memref_squeeze %dma_start3A_56 : memref<1x640xf32, #tpu.memory_space<vmem_shared>> -> memref<640xf32, #tpu.memory_space<vmem_shared>>
      tpu.enqueue_dma source(%dma_start3A_57 : memref<640xf32, #tpu.memory_space<vmem_shared>>) target(%dma_start3A_55 : memref<640xf32, #tpu.memory_space<vmem>>) target_semaphore(%run_scoped3A_50 : memref<!tpu.dma_semaphore, #tpu.memory_space<semaphore_mem>>)
      %dma_wait3A = arith.constant 3200 : i32
      %dma_wait3A_58 = tpu.memref_slice %arg14[%dma_wait3A] : memref<10240xf32, #tpu.memory_space<vmem>> -> memref<640xf32, #tpu.memory_space<vmem>>
      %dma_wait3A_59 = tpu.memref_slice %arg22[%run_scoped3A_14, %multiple_of3A_9] : memref<16x10240xf32, #tpu.memory_space<vmem_shared>> -> memref<1x640xf32, #tpu.memory_space<vmem_shared>>
      %dma_wait3A_60 = tpu.memref_squeeze %dma_wait3A_59 : memref<1x640xf32, #tpu.memory_space<vmem_shared>> -> memref<640xf32, #tpu.memory_space<vmem_shared>>
      %dma_wait3A_61 = arith.constant 3200 : i32
      %dma_wait3A_62 = tpu.memref_slice %arg14[%dma_wait3A_61] : memref<10240xf32, #tpu.memory_space<vmem>> -> memref<640xf32, #tpu.memory_space<vmem>>
      %dma_wait3A_63 = tpu.memref_slice %arg22[%run_scoped3A_14, %multiple_of3A_9] : memref<16x10240xf32, #tpu.memory_space<vmem_shared>> -> memref<1x640xf32, #tpu.memory_space<vmem_shared>>
      %dma_wait3A_64 = tpu.memref_squeeze %dma_wait3A_63 : memref<1x640xf32, #tpu.memory_space<vmem_shared>> -> memref<640xf32, #tpu.memory_space<vmem_shared>>
      tpu.wait_dma2 semaphore(%run_scoped3A_50 : memref<!tpu.dma_semaphore, #tpu.memory_space<semaphore_mem>>) src(%dma_wait3A_64 : memref<640xf32, #tpu.memory_space<vmem_shared>>) dst(%dma_wait3A_62 : memref<640xf32, #tpu.memory_space<vmem>>)
      tpu.yield
    }) : () -> ()
    %run_scoped3A_15 = arith.constant 6 : i32
    "tpu.region"() ({
      %run_scoped3A_50 = tpu.sem_alloc : memref<!tpu.dma_semaphore, #tpu.memory_space<semaphore_mem>>
      %dma_start3A = arith.constant 3840 : i32
      %dma_start3A_51 = tpu.memref_slice %arg14[%dma_start3A] : memref<10240xf32, #tpu.memory_space<vmem>> -> memref<640xf32, #tpu.memory_space<vmem>>
      %dma_start3A_52 = tpu.memref_slice %arg22[%run_scoped3A_15, %multiple_of3A_9] : memref<16x10240xf32, #tpu.memory_space<vmem_shared>> -> memref<1x640xf32, #tpu.memory_space<vmem_shared>>
      %dma_start3A_53 = tpu.memref_squeeze %dma_start3A_52 : memref<1x640xf32, #tpu.memory_space<vmem_shared>> -> memref<640xf32, #tpu.memory_space<vmem_shared>>
      %dma_start3A_54 = arith.constant 3840 : i32
      %dma_start3A_55 = tpu.memref_slice %arg14[%dma_start3A_54] : memref<10240xf32, #tpu.memory_space<vmem>> -> memref<640xf32, #tpu.memory_space<vmem>>
      %dma_start3A_56 = tpu.memref_slice %arg22[%run_scoped3A_15, %multiple_of3A_9] : memref<16x10240xf32, #tpu.memory_space<vmem_shared>> -> memref<1x640xf32, #tpu.memory_space<vmem_shared>>
      %dma_start3A_57 = tpu.memref_squeeze %dma_start3A_56 : memref<1x640xf32, #tpu.memory_space<vmem_shared>> -> memref<640xf32, #tpu.memory_space<vmem_shared>>
      tpu.enqueue_dma source(%dma_start3A_57 : memref<640xf32, #tpu.memory_space<vmem_shared>>) target(%dma_start3A_55 : memref<640xf32, #tpu.memory_space<vmem>>) target_semaphore(%run_scoped3A_50 : memref<!tpu.dma_semaphore, #tpu.memory_space<semaphore_mem>>)
      %dma_wait3A = arith.constant 3840 : i32
      %dma_wait3A_58 = tpu.memref_slice %arg14[%dma_wait3A] : memref<10240xf32, #tpu.memory_space<vmem>> -> memref<640xf32, #tpu.memory_space<vmem>>
      %dma_wait3A_59 = tpu.memref_slice %arg22[%run_scoped3A_15, %multiple_of3A_9] : memref<16x10240xf32, #tpu.memory_space<vmem_shared>> -> memref<1x640xf32, #tpu.memory_space<vmem_shared>>
      %dma_wait3A_60 = tpu.memref_squeeze %dma_wait3A_59 : memref<1x640xf32, #tpu.memory_space<vmem_shared>> -> memref<640xf32, #tpu.memory_space<vmem_shared>>
      %dma_wait3A_61 = arith.constant 3840 : i32
      %dma_wait3A_62 = tpu.memref_slice %arg14[%dma_wait3A_61] : memref<10240xf32, #tpu.memory_space<vmem>> -> memref<640xf32, #tpu.memory_space<vmem>>
      %dma_wait3A_63 = tpu.memref_slice %arg22[%run_scoped3A_15, %multiple_of3A_9] : memref<16x10240xf32, #tpu.memory_space<vmem_shared>> -> memref<1x640xf32, #tpu.memory_space<vmem_shared>>
      %dma_wait3A_64 = tpu.memref_squeeze %dma_wait3A_63 : memref<1x640xf32, #tpu.memory_space<vmem_shared>> -> memref<640xf32, #tpu.memory_space<vmem_shared>>
      tpu.wait_dma2 semaphore(%run_scoped3A_50 : memref<!tpu.dma_semaphore, #tpu.memory_space<semaphore_mem>>) src(%dma_wait3A_64 : memref<640xf32, #tpu.memory_space<vmem_shared>>) dst(%dma_wait3A_62 : memref<640xf32, #tpu.memory_space<vmem>>)
      tpu.yield
    }) : () -> ()
    %run_scoped3A_16 = arith.constant 7 : i32
    "tpu.region"() ({
      %run_scoped3A_50 = tpu.sem_alloc : memref<!tpu.dma_semaphore, #tpu.memory_space<semaphore_mem>>
      %dma_start3A = arith.constant 4480 : i32
      %dma_start3A_51 = tpu.memref_slice %arg14[%dma_start3A] : memref<10240xf32, #tpu.memory_space<vmem>> -> memref<640xf32, #tpu.memory_space<vmem>>
      %dma_start3A_52 = tpu.memref_slice %arg22[%run_scoped3A_16, %multiple_of3A_9] : memref<16x10240xf32, #tpu.memory_space<vmem_shared>> -> memref<1x640xf32, #tpu.memory_space<vmem_shared>>
      %dma_start3A_53 = tpu.memref_squeeze %dma_start3A_52 : memref<1x640xf32, #tpu.memory_space<vmem_shared>> -> memref<640xf32, #tpu.memory_space<vmem_shared>>
      %dma_start3A_54 = arith.constant 4480 : i32
      %dma_start3A_55 = tpu.memref_slice %arg14[%dma_start3A_54] : memref<10240xf32, #tpu.memory_space<vmem>> -> memref<640xf32, #tpu.memory_space<vmem>>
      %dma_start3A_56 = tpu.memref_slice %arg22[%run_scoped3A_16, %multiple_of3A_9] : memref<16x10240xf32, #tpu.memory_space<vmem_shared>> -> memref<1x640xf32, #tpu.memory_space<vmem_shared>>
      %dma_start3A_57 = tpu.memref_squeeze %dma_start3A_56 : memref<1x640xf32, #tpu.memory_space<vmem_shared>> -> memref<640xf32, #tpu.memory_space<vmem_shared>>
      tpu.enqueue_dma source(%dma_start3A_57 : memref<640xf32, #tpu.memory_space<vmem_shared>>) target(%dma_start3A_55 : memref<640xf32, #tpu.memory_space<vmem>>) target_semaphore(%run_scoped3A_50 : memref<!tpu.dma_semaphore, #tpu.memory_space<semaphore_mem>>)
      %dma_wait3A = arith.constant 4480 : i32
      %dma_wait3A_58 = tpu.memref_slice %arg14[%dma_wait3A] : memref<10240xf32, #tpu.memory_space<vmem>> -> memref<640xf32, #tpu.memory_space<vmem>>
      %dma_wait3A_59 = tpu.memref_slice %arg22[%run_scoped3A_16, %multiple_of3A_9] : memref<16x10240xf32, #tpu.memory_space<vmem_shared>> -> memref<1x640xf32, #tpu.memory_space<vmem_shared>>
      %dma_wait3A_60 = tpu.memref_squeeze %dma_wait3A_59 : memref<1x640xf32, #tpu.memory_space<vmem_shared>> -> memref<640xf32, #tpu.memory_space<vmem_shared>>
      %dma_wait3A_61 = arith.constant 4480 : i32
      %dma_wait3A_62 = tpu.memref_slice %arg14[%dma_wait3A_61] : memref<10240xf32, #tpu.memory_space<vmem>> -> memref<640xf32, #tpu.memory_space<vmem>>
      %dma_wait3A_63 = tpu.memref_slice %arg22[%run_scoped3A_16, %multiple_of3A_9] : memref<16x10240xf32, #tpu.memory_space<vmem_shared>> -> memref<1x640xf32, #tpu.memory_space<vmem_shared>>
      %dma_wait3A_64 = tpu.memref_squeeze %dma_wait3A_63 : memref<1x640xf32, #tpu.memory_space<vmem_shared>> -> memref<640xf32, #tpu.memory_space<vmem_shared>>
      tpu.wait_dma2 semaphore(%run_scoped3A_50 : memref<!tpu.dma_semaphore, #tpu.memory_space<semaphore_mem>>) src(%dma_wait3A_64 : memref<640xf32, #tpu.memory_space<vmem_shared>>) dst(%dma_wait3A_62 : memref<640xf32, #tpu.memory_space<vmem>>)
      tpu.yield
    }) : () -> ()
    %run_scoped3A_17 = arith.constant 8 : i32
    "tpu.region"() ({
      %run_scoped3A_50 = tpu.sem_alloc : memref<!tpu.dma_semaphore, #tpu.memory_space<semaphore_mem>>
      %dma_start3A = arith.constant 5120 : i32
      %dma_start3A_51 = tpu.memref_slice %arg14[%dma_start3A] : memref<10240xf32, #tpu.memory_space<vmem>> -> memref<640xf32, #tpu.memory_space<vmem>>
      %dma_start3A_52 = tpu.memref_slice %arg22[%run_scoped3A_17, %multiple_of3A_9] : memref<16x10240xf32, #tpu.memory_space<vmem_shared>> -> memref<1x640xf32, #tpu.memory_space<vmem_shared>>
      %dma_start3A_53 = tpu.memref_squeeze %dma_start3A_52 : memref<1x640xf32, #tpu.memory_space<vmem_shared>> -> memref<640xf32, #tpu.memory_space<vmem_shared>>
      %dma_start3A_54 = arith.constant 5120 : i32
      %dma_start3A_55 = tpu.memref_slice %arg14[%dma_start3A_54] : memref<10240xf32, #tpu.memory_space<vmem>> -> memref<640xf32, #tpu.memory_space<vmem>>
      %dma_start3A_56 = tpu.memref_slice %arg22[%run_scoped3A_17, %multiple_of3A_9] : memref<16x10240xf32, #tpu.memory_space<vmem_shared>> -> memref<1x640xf32, #tpu.memory_space<vmem_shared>>
      %dma_start3A_57 = tpu.memref_squeeze %dma_start3A_56 : memref<1x640xf32, #tpu.memory_space<vmem_shared>> -> memref<640xf32, #tpu.memory_space<vmem_shared>>
      tpu.enqueue_dma source(%dma_start3A_57 : memref<640xf32, #tpu.memory_space<vmem_shared>>) target(%dma_start3A_55 : memref<640xf32, #tpu.memory_space<vmem>>) target_semaphore(%run_scoped3A_50 : memref<!tpu.dma_semaphore, #tpu.memory_space<semaphore_mem>>)
      %dma_wait3A = arith.constant 5120 : i32
      %dma_wait3A_58 = tpu.memref_slice %arg14[%dma_wait3A] : memref<10240xf32, #tpu.memory_space<vmem>> -> memref<640xf32, #tpu.memory_space<vmem>>
      %dma_wait3A_59 = tpu.memref_slice %arg22[%run_scoped3A_17, %multiple_of3A_9] : memref<16x10240xf32, #tpu.memory_space<vmem_shared>> -> memref<1x640xf32, #tpu.memory_space<vmem_shared>>
      %dma_wait3A_60 = tpu.memref_squeeze %dma_wait3A_59 : memref<1x640xf32, #tpu.memory_space<vmem_shared>> -> memref<640xf32, #tpu.memory_space<vmem_shared>>
      %dma_wait3A_61 = arith.constant 5120 : i32
      %dma_wait3A_62 = tpu.memref_slice %arg14[%dma_wait3A_61] : memref<10240xf32, #tpu.memory_space<vmem>> -> memref<640xf32, #tpu.memory_space<vmem>>
      %dma_wait3A_63 = tpu.memref_slice %arg22[%run_scoped3A_17, %multiple_of3A_9] : memref<16x10240xf32, #tpu.memory_space<vmem_shared>> -> memref<1x640xf32, #tpu.memory_space<vmem_shared>>
      %dma_wait3A_64 = tpu.memref_squeeze %dma_wait3A_63 : memref<1x640xf32, #tpu.memory_space<vmem_shared>> -> memref<640xf32, #tpu.memory_space<vmem_shared>>
      tpu.wait_dma2 semaphore(%run_scoped3A_50 : memref<!tpu.dma_semaphore, #tpu.memory_space<semaphore_mem>>) src(%dma_wait3A_64 : memref<640xf32, #tpu.memory_space<vmem_shared>>) dst(%dma_wait3A_62 : memref<640xf32, #tpu.memory_space<vmem>>)
      tpu.yield
    }) : () -> ()
    %run_scoped3A_18 = arith.constant 9 : i32
    "tpu.region"() ({
      %run_scoped3A_50 = tpu.sem_alloc : memref<!tpu.dma_semaphore, #tpu.memory_space<semaphore_mem>>
      %dma_start3A = arith.constant 5760 : i32
      %dma_start3A_51 = tpu.memref_slice %arg14[%dma_start3A] : memref<10240xf32, #tpu.memory_space<vmem>> -> memref<640xf32, #tpu.memory_space<vmem>>
      %dma_start3A_52 = tpu.memref_slice %arg22[%run_scoped3A_18, %multiple_of3A_9] : memref<16x10240xf32, #tpu.memory_space<vmem_shared>> -> memref<1x640xf32, #tpu.memory_space<vmem_shared>>
      %dma_start3A_53 = tpu.memref_squeeze %dma_start3A_52 : memref<1x640xf32, #tpu.memory_space<vmem_shared>> -> memref<640xf32, #tpu.memory_space<vmem_shared>>
      %dma_start3A_54 = arith.constant 5760 : i32
      %dma_start3A_55 = tpu.memref_slice %arg14[%dma_start3A_54] : memref<10240xf32, #tpu.memory_space<vmem>> -> memref<640xf32, #tpu.memory_space<vmem>>
      %dma_start3A_56 = tpu.memref_slice %arg22[%run_scoped3A_18, %multiple_of3A_9] : memref<16x10240xf32, #tpu.memory_space<vmem_shared>> -> memref<1x640xf32, #tpu.memory_space<vmem_shared>>
      %dma_start3A_57 = tpu.memref_squeeze %dma_start3A_56 : memref<1x640xf32, #tpu.memory_space<vmem_shared>> -> memref<640xf32, #tpu.memory_space<vmem_shared>>
      tpu.enqueue_dma source(%dma_start3A_57 : memref<640xf32, #tpu.memory_space<vmem_shared>>) target(%dma_start3A_55 : memref<640xf32, #tpu.memory_space<vmem>>) target_semaphore(%run_scoped3A_50 : memref<!tpu.dma_semaphore, #tpu.memory_space<semaphore_mem>>)
      %dma_wait3A = arith.constant 5760 : i32
      %dma_wait3A_58 = tpu.memref_slice %arg14[%dma_wait3A] : memref<10240xf32, #tpu.memory_space<vmem>> -> memref<640xf32, #tpu.memory_space<vmem>>
      %dma_wait3A_59 = tpu.memref_slice %arg22[%run_scoped3A_18, %multiple_of3A_9] : memref<16x10240xf32, #tpu.memory_space<vmem_shared>> -> memref<1x640xf32, #tpu.memory_space<vmem_shared>>
      %dma_wait3A_60 = tpu.memref_squeeze %dma_wait3A_59 : memref<1x640xf32, #tpu.memory_space<vmem_shared>> -> memref<640xf32, #tpu.memory_space<vmem_shared>>
      %dma_wait3A_61 = arith.constant 5760 : i32
      %dma_wait3A_62 = tpu.memref_slice %arg14[%dma_wait3A_61] : memref<10240xf32, #tpu.memory_space<vmem>> -> memref<640xf32, #tpu.memory_space<vmem>>
      %dma_wait3A_63 = tpu.memref_slice %arg22[%run_scoped3A_18, %multiple_of3A_9] : memref<16x10240xf32, #tpu.memory_space<vmem_shared>> -> memref<1x640xf32, #tpu.memory_space<vmem_shared>>
      %dma_wait3A_64 = tpu.memref_squeeze %dma_wait3A_63 : memref<1x640xf32, #tpu.memory_space<vmem_shared>> -> memref<640xf32, #tpu.memory_space<vmem_shared>>
      tpu.wait_dma2 semaphore(%run_scoped3A_50 : memref<!tpu.dma_semaphore, #tpu.memory_space<semaphore_mem>>) src(%dma_wait3A_64 : memref<640xf32, #tpu.memory_space<vmem_shared>>) dst(%dma_wait3A_62 : memref<640xf32, #tpu.memory_space<vmem>>)
      tpu.yield
    }) : () -> ()
    %run_scoped3A_19 = arith.constant 10 : i32
    "tpu.region"() ({
      %run_scoped3A_50 = tpu.sem_alloc : memref<!tpu.dma_semaphore, #tpu.memory_space<semaphore_mem>>
      %dma_start3A = arith.constant 6400 : i32
      %dma_start3A_51 = tpu.memref_slice %arg14[%dma_start3A] : memref<10240xf32, #tpu.memory_space<vmem>> -> memref<640xf32, #tpu.memory_space<vmem>>
      %dma_start3A_52 = tpu.memref_slice %arg22[%run_scoped3A_19, %multiple_of3A_9] : memref<16x10240xf32, #tpu.memory_space<vmem_shared>> -> memref<1x640xf32, #tpu.memory_space<vmem_shared>>
      %dma_start3A_53 = tpu.memref_squeeze %dma_start3A_52 : memref<1x640xf32, #tpu.memory_space<vmem_shared>> -> memref<640xf32, #tpu.memory_space<vmem_shared>>
      %dma_start3A_54 = arith.constant 6400 : i32
      %dma_start3A_55 = tpu.memref_slice %arg14[%dma_start3A_54] : memref<10240xf32, #tpu.memory_space<vmem>> -> memref<640xf32, #tpu.memory_space<vmem>>
      %dma_start3A_56 = tpu.memref_slice %arg22[%run_scoped3A_19, %multiple_of3A_9] : memref<16x10240xf32, #tpu.memory_space<vmem_shared>> -> memref<1x640xf32, #tpu.memory_space<vmem_shared>>
      %dma_start3A_57 = tpu.memref_squeeze %dma_start3A_56 : memref<1x640xf32, #tpu.memory_space<vmem_shared>> -> memref<640xf32, #tpu.memory_space<vmem_shared>>
      tpu.enqueue_dma source(%dma_start3A_57 : memref<640xf32, #tpu.memory_space<vmem_shared>>) target(%dma_start3A_55 : memref<640xf32, #tpu.memory_space<vmem>>) target_semaphore(%run_scoped3A_50 : memref<!tpu.dma_semaphore, #tpu.memory_space<semaphore_mem>>)
      %dma_wait3A = arith.constant 6400 : i32
      %dma_wait3A_58 = tpu.memref_slice %arg14[%dma_wait3A] : memref<10240xf32, #tpu.memory_space<vmem>> -> memref<640xf32, #tpu.memory_space<vmem>>
      %dma_wait3A_59 = tpu.memref_slice %arg22[%run_scoped3A_19, %multiple_of3A_9] : memref<16x10240xf32, #tpu.memory_space<vmem_shared>> -> memref<1x640xf32, #tpu.memory_space<vmem_shared>>
      %dma_wait3A_60 = tpu.memref_squeeze %dma_wait3A_59 : memref<1x640xf32, #tpu.memory_space<vmem_shared>> -> memref<640xf32, #tpu.memory_space<vmem_shared>>
      %dma_wait3A_61 = arith.constant 6400 : i32
      %dma_wait3A_62 = tpu.memref_slice %arg14[%dma_wait3A_61] : memref<10240xf32, #tpu.memory_space<vmem>> -> memref<640xf32, #tpu.memory_space<vmem>>
      %dma_wait3A_63 = tpu.memref_slice %arg22[%run_scoped3A_19, %multiple_of3A_9] : memref<16x10240xf32, #tpu.memory_space<vmem_shared>> -> memref<1x640xf32, #tpu.memory_space<vmem_shared>>
      %dma_wait3A_64 = tpu.memref_squeeze %dma_wait3A_63 : memref<1x640xf32, #tpu.memory_space<vmem_shared>> -> memref<640xf32, #tpu.memory_space<vmem_shared>>
      tpu.wait_dma2 semaphore(%run_scoped3A_50 : memref<!tpu.dma_semaphore, #tpu.memory_space<semaphore_mem>>) src(%dma_wait3A_64 : memref<640xf32, #tpu.memory_space<vmem_shared>>) dst(%dma_wait3A_62 : memref<640xf32, #tpu.memory_space<vmem>>)
      tpu.yield
    }) : () -> ()
    %run_scoped3A_20 = arith.constant 11 : i32
    "tpu.region"() ({
      %run_scoped3A_50 = tpu.sem_alloc : memref<!tpu.dma_semaphore, #tpu.memory_space<semaphore_mem>>
      %dma_start3A = arith.constant 7040 : i32
      %dma_start3A_51 = tpu.memref_slice %arg14[%dma_start3A] : memref<10240xf32, #tpu.memory_space<vmem>> -> memref<640xf32, #tpu.memory_space<vmem>>
      %dma_start3A_52 = tpu.memref_slice %arg22[%run_scoped3A_20, %multiple_of3A_9] : memref<16x10240xf32, #tpu.memory_space<vmem_shared>> -> memref<1x640xf32, #tpu.memory_space<vmem_shared>>
      %dma_start3A_53 = tpu.memref_squeeze %dma_start3A_52 : memref<1x640xf32, #tpu.memory_space<vmem_shared>> -> memref<640xf32, #tpu.memory_space<vmem_shared>>
      %dma_start3A_54 = arith.constant 7040 : i32
      %dma_start3A_55 = tpu.memref_slice %arg14[%dma_start3A_54] : memref<10240xf32, #tpu.memory_space<vmem>> -> memref<640xf32, #tpu.memory_space<vmem>>
      %dma_start3A_56 = tpu.memref_slice %arg22[%run_scoped3A_20, %multiple_of3A_9] : memref<16x10240xf32, #tpu.memory_space<vmem_shared>> -> memref<1x640xf32, #tpu.memory_space<vmem_shared>>
      %dma_start3A_57 = tpu.memref_squeeze %dma_start3A_56 : memref<1x640xf32, #tpu.memory_space<vmem_shared>> -> memref<640xf32, #tpu.memory_space<vmem_shared>>
      tpu.enqueue_dma source(%dma_start3A_57 : memref<640xf32, #tpu.memory_space<vmem_shared>>) target(%dma_start3A_55 : memref<640xf32, #tpu.memory_space<vmem>>) target_semaphore(%run_scoped3A_50 : memref<!tpu.dma_semaphore, #tpu.memory_space<semaphore_mem>>)
      %dma_wait3A = arith.constant 7040 : i32
      %dma_wait3A_58 = tpu.memref_slice %arg14[%dma_wait3A] : memref<10240xf32, #tpu.memory_space<vmem>> -> memref<640xf32, #tpu.memory_space<vmem>>
      %dma_wait3A_59 = tpu.memref_slice %arg22[%run_scoped3A_20, %multiple_of3A_9] : memref<16x10240xf32, #tpu.memory_space<vmem_shared>> -> memref<1x640xf32, #tpu.memory_space<vmem_shared>>
      %dma_wait3A_60 = tpu.memref_squeeze %dma_wait3A_59 : memref<1x640xf32, #tpu.memory_space<vmem_shared>> -> memref<640xf32, #tpu.memory_space<vmem_shared>>
      %dma_wait3A_61 = arith.constant 7040 : i32
      %dma_wait3A_62 = tpu.memref_slice %arg14[%dma_wait3A_61] : memref<10240xf32, #tpu.memory_space<vmem>> -> memref<640xf32, #tpu.memory_space<vmem>>
      %dma_wait3A_63 = tpu.memref_slice %arg22[%run_scoped3A_20, %multiple_of3A_9] : memref<16x10240xf32, #tpu.memory_space<vmem_shared>> -> memref<1x640xf32, #tpu.memory_space<vmem_shared>>
      %dma_wait3A_64 = tpu.memref_squeeze %dma_wait3A_63 : memref<1x640xf32, #tpu.memory_space<vmem_shared>> -> memref<640xf32, #tpu.memory_space<vmem_shared>>
      tpu.wait_dma2 semaphore(%run_scoped3A_50 : memref<!tpu.dma_semaphore, #tpu.memory_space<semaphore_mem>>) src(%dma_wait3A_64 : memref<640xf32, #tpu.memory_space<vmem_shared>>) dst(%dma_wait3A_62 : memref<640xf32, #tpu.memory_space<vmem>>)
      tpu.yield
    }) : () -> ()
    %run_scoped3A_21 = arith.constant 12 : i32
    "tpu.region"() ({
      %run_scoped3A_50 = tpu.sem_alloc : memref<!tpu.dma_semaphore, #tpu.memory_space<semaphore_mem>>
      %dma_start3A = arith.constant 7680 : i32
      %dma_start3A_51 = tpu.memref_slice %arg14[%dma_start3A] : memref<10240xf32, #tpu.memory_space<vmem>> -> memref<640xf32, #tpu.memory_space<vmem>>
      %dma_start3A_52 = tpu.memref_slice %arg22[%run_scoped3A_21, %multiple_of3A_9] : memref<16x10240xf32, #tpu.memory_space<vmem_shared>> -> memref<1x640xf32, #tpu.memory_space<vmem_shared>>
      %dma_start3A_53 = tpu.memref_squeeze %dma_start3A_52 : memref<1x640xf32, #tpu.memory_space<vmem_shared>> -> memref<640xf32, #tpu.memory_space<vmem_shared>>
      %dma_start3A_54 = arith.constant 7680 : i32
      %dma_start3A_55 = tpu.memref_slice %arg14[%dma_start3A_54] : memref<10240xf32, #tpu.memory_space<vmem>> -> memref<640xf32, #tpu.memory_space<vmem>>
      %dma_start3A_56 = tpu.memref_slice %arg22[%run_scoped3A_21, %multiple_of3A_9] : memref<16x10240xf32, #tpu.memory_space<vmem_shared>> -> memref<1x640xf32, #tpu.memory_space<vmem_shared>>
      %dma_start3A_57 = tpu.memref_squeeze %dma_start3A_56 : memref<1x640xf32, #tpu.memory_space<vmem_shared>> -> memref<640xf32, #tpu.memory_space<vmem_shared>>
      tpu.enqueue_dma source(%dma_start3A_57 : memref<640xf32, #tpu.memory_space<vmem_shared>>) target(%dma_start3A_55 : memref<640xf32, #tpu.memory_space<vmem>>) target_semaphore(%run_scoped3A_50 : memref<!tpu.dma_semaphore, #tpu.memory_space<semaphore_mem>>)
      %dma_wait3A = arith.constant 7680 : i32
      %dma_wait3A_58 = tpu.memref_slice %arg14[%dma_wait3A] : memref<10240xf32, #tpu.memory_space<vmem>> -> memref<640xf32, #tpu.memory_space<vmem>>
      %dma_wait3A_59 = tpu.memref_slice %arg22[%run_scoped3A_21, %multiple_of3A_9] : memref<16x10240xf32, #tpu.memory_space<vmem_shared>> -> memref<1x640xf32, #tpu.memory_space<vmem_shared>>
      %dma_wait3A_60 = tpu.memref_squeeze %dma_wait3A_59 : memref<1x640xf32, #tpu.memory_space<vmem_shared>> -> memref<640xf32, #tpu.memory_space<vmem_shared>>
      %dma_wait3A_61 = arith.constant 7680 : i32
      %dma_wait3A_62 = tpu.memref_slice %arg14[%dma_wait3A_61] : memref<10240xf32, #tpu.memory_space<vmem>> -> memref<640xf32, #tpu.memory_space<vmem>>
      %dma_wait3A_63 = tpu.memref_slice %arg22[%run_scoped3A_21, %multiple_of3A_9] : memref<16x10240xf32, #tpu.memory_space<vmem_shared>> -> memref<1x640xf32, #tpu.memory_space<vmem_shared>>
      %dma_wait3A_64 = tpu.memref_squeeze %dma_wait3A_63 : memref<1x640xf32, #tpu.memory_space<vmem_shared>> -> memref<640xf32, #tpu.memory_space<vmem_shared>>
      tpu.wait_dma2 semaphore(%run_scoped3A_50 : memref<!tpu.dma_semaphore, #tpu.memory_space<semaphore_mem>>) src(%dma_wait3A_64 : memref<640xf32, #tpu.memory_space<vmem_shared>>) dst(%dma_wait3A_62 : memref<640xf32, #tpu.memory_space<vmem>>)
      tpu.yield
    }) : () -> ()
    %run_scoped3A_22 = arith.constant 13 : i32
    "tpu.region"() ({
      %run_scoped3A_50 = tpu.sem_alloc : memref<!tpu.dma_semaphore, #tpu.memory_space<semaphore_mem>>
      %dma_start3A = arith.constant 8320 : i32
      %dma_start3A_51 = tpu.memref_slice %arg14[%dma_start3A] : memref<10240xf32, #tpu.memory_space<vmem>> -> memref<640xf32, #tpu.memory_space<vmem>>
      %dma_start3A_52 = tpu.memref_slice %arg22[%run_scoped3A_22, %multiple_of3A_9] : memref<16x10240xf32, #tpu.memory_space<vmem_shared>> -> memref<1x640xf32, #tpu.memory_space<vmem_shared>>
      %dma_start3A_53 = tpu.memref_squeeze %dma_start3A_52 : memref<1x640xf32, #tpu.memory_space<vmem_shared>> -> memref<640xf32, #tpu.memory_space<vmem_shared>>
      %dma_start3A_54 = arith.constant 8320 : i32
      %dma_start3A_55 = tpu.memref_slice %arg14[%dma_start3A_54] : memref<10240xf32, #tpu.memory_space<vmem>> -> memref<640xf32, #tpu.memory_space<vmem>>
      %dma_start3A_56 = tpu.memref_slice %arg22[%run_scoped3A_22, %multiple_of3A_9] : memref<16x10240xf32, #tpu.memory_space<vmem_shared>> -> memref<1x640xf32, #tpu.memory_space<vmem_shared>>
      %dma_start3A_57 = tpu.memref_squeeze %dma_start3A_56 : memref<1x640xf32, #tpu.memory_space<vmem_shared>> -> memref<640xf32, #tpu.memory_space<vmem_shared>>
      tpu.enqueue_dma source(%dma_start3A_57 : memref<640xf32, #tpu.memory_space<vmem_shared>>) target(%dma_start3A_55 : memref<640xf32, #tpu.memory_space<vmem>>) target_semaphore(%run_scoped3A_50 : memref<!tpu.dma_semaphore, #tpu.memory_space<semaphore_mem>>)
      %dma_wait3A = arith.constant 8320 : i32
      %dma_wait3A_58 = tpu.memref_slice %arg14[%dma_wait3A] : memref<10240xf32, #tpu.memory_space<vmem>> -> memref<640xf32, #tpu.memory_space<vmem>>
      %dma_wait3A_59 = tpu.memref_slice %arg22[%run_scoped3A_22, %multiple_of3A_9] : memref<16x10240xf32, #tpu.memory_space<vmem_shared>> -> memref<1x640xf32, #tpu.memory_space<vmem_shared>>
      %dma_wait3A_60 = tpu.memref_squeeze %dma_wait3A_59 : memref<1x640xf32, #tpu.memory_space<vmem_shared>> -> memref<640xf32, #tpu.memory_space<vmem_shared>>
      %dma_wait3A_61 = arith.constant 8320 : i32
      %dma_wait3A_62 = tpu.memref_slice %arg14[%dma_wait3A_61] : memref<10240xf32, #tpu.memory_space<vmem>> -> memref<640xf32, #tpu.memory_space<vmem>>
      %dma_wait3A_63 = tpu.memref_slice %arg22[%run_scoped3A_22, %multiple_of3A_9] : memref<16x10240xf32, #tpu.memory_space<vmem_shared>> -> memref<1x640xf32, #tpu.memory_space<vmem_shared>>
      %dma_wait3A_64 = tpu.memref_squeeze %dma_wait3A_63 : memref<1x640xf32, #tpu.memory_space<vmem_shared>> -> memref<640xf32, #tpu.memory_space<vmem_shared>>
      tpu.wait_dma2 semaphore(%run_scoped3A_50 : memref<!tpu.dma_semaphore, #tpu.memory_space<semaphore_mem>>) src(%dma_wait3A_64 : memref<640xf32, #tpu.memory_space<vmem_shared>>) dst(%dma_wait3A_62 : memref<640xf32, #tpu.memory_space<vmem>>)
      tpu.yield
    }) : () -> ()
    %run_scoped3A_23 = arith.constant 14 : i32
    "tpu.region"() ({
      %run_scoped3A_50 = tpu.sem_alloc : memref<!tpu.dma_semaphore, #tpu.memory_space<semaphore_mem>>
      %dma_start3A = arith.constant 8960 : i32
      %dma_start3A_51 = tpu.memref_slice %arg14[%dma_start3A] : memref<10240xf32, #tpu.memory_space<vmem>> -> memref<640xf32, #tpu.memory_space<vmem>>
      %dma_start3A_52 = tpu.memref_slice %arg22[%run_scoped3A_23, %multiple_of3A_9] : memref<16x10240xf32, #tpu.memory_space<vmem_shared>> -> memref<1x640xf32, #tpu.memory_space<vmem_shared>>
      %dma_start3A_53 = tpu.memref_squeeze %dma_start3A_52 : memref<1x640xf32, #tpu.memory_space<vmem_shared>> -> memref<640xf32, #tpu.memory_space<vmem_shared>>
      %dma_start3A_54 = arith.constant 8960 : i32
      %dma_start3A_55 = tpu.memref_slice %arg14[%dma_start3A_54] : memref<10240xf32, #tpu.memory_space<vmem>> -> memref<640xf32, #tpu.memory_space<vmem>>
      %dma_start3A_56 = tpu.memref_slice %arg22[%run_scoped3A_23, %multiple_of3A_9] : memref<16x10240xf32, #tpu.memory_space<vmem_shared>> -> memref<1x640xf32, #tpu.memory_space<vmem_shared>>
      %dma_start3A_57 = tpu.memref_squeeze %dma_start3A_56 : memref<1x640xf32, #tpu.memory_space<vmem_shared>> -> memref<640xf32, #tpu.memory_space<vmem_shared>>
      tpu.enqueue_dma source(%dma_start3A_57 : memref<640xf32, #tpu.memory_space<vmem_shared>>) target(%dma_start3A_55 : memref<640xf32, #tpu.memory_space<vmem>>) target_semaphore(%run_scoped3A_50 : memref<!tpu.dma_semaphore, #tpu.memory_space<semaphore_mem>>)
      %dma_wait3A = arith.constant 8960 : i32
      %dma_wait3A_58 = tpu.memref_slice %arg14[%dma_wait3A] : memref<10240xf32, #tpu.memory_space<vmem>> -> memref<640xf32, #tpu.memory_space<vmem>>
      %dma_wait3A_59 = tpu.memref_slice %arg22[%run_scoped3A_23, %multiple_of3A_9] : memref<16x10240xf32, #tpu.memory_space<vmem_shared>> -> memref<1x640xf32, #tpu.memory_space<vmem_shared>>
      %dma_wait3A_60 = tpu.memref_squeeze %dma_wait3A_59 : memref<1x640xf32, #tpu.memory_space<vmem_shared>> -> memref<640xf32, #tpu.memory_space<vmem_shared>>
      %dma_wait3A_61 = arith.constant 8960 : i32
      %dma_wait3A_62 = tpu.memref_slice %arg14[%dma_wait3A_61] : memref<10240xf32, #tpu.memory_space<vmem>> -> memref<640xf32, #tpu.memory_space<vmem>>
      %dma_wait3A_63 = tpu.memref_slice %arg22[%run_scoped3A_23, %multiple_of3A_9] : memref<16x10240xf32, #tpu.memory_space<vmem_shared>> -> memref<1x640xf32, #tpu.memory_space<vmem_shared>>
      %dma_wait3A_64 = tpu.memref_squeeze %dma_wait3A_63 : memref<1x640xf32, #tpu.memory_space<vmem_shared>> -> memref<640xf32, #tpu.memory_space<vmem_shared>>
      tpu.wait_dma2 semaphore(%run_scoped3A_50 : memref<!tpu.dma_semaphore, #tpu.memory_space<semaphore_mem>>) src(%dma_wait3A_64 : memref<640xf32, #tpu.memory_space<vmem_shared>>) dst(%dma_wait3A_62 : memref<640xf32, #tpu.memory_space<vmem>>)
      tpu.yield
    }) : () -> ()
    %run_scoped3A_24 = arith.constant 15 : i32
    "tpu.region"() ({
      %run_scoped3A_50 = tpu.sem_alloc : memref<!tpu.dma_semaphore, #tpu.memory_space<semaphore_mem>>
      %dma_start3A = arith.constant 9600 : i32
      %dma_start3A_51 = tpu.memref_slice %arg14[%dma_start3A] : memref<10240xf32, #tpu.memory_space<vmem>> -> memref<640xf32, #tpu.memory_space<vmem>>
      %dma_start3A_52 = tpu.memref_slice %arg22[%run_scoped3A_24, %multiple_of3A_9] : memref<16x10240xf32, #tpu.memory_space<vmem_shared>> -> memref<1x640xf32, #tpu.memory_space<vmem_shared>>
      %dma_start3A_53 = tpu.memref_squeeze %dma_start3A_52 : memref<1x640xf32, #tpu.memory_space<vmem_shared>> -> memref<640xf32, #tpu.memory_space<vmem_shared>>
      %dma_start3A_54 = arith.constant 9600 : i32
      %dma_start3A_55 = tpu.memref_slice %arg14[%dma_start3A_54] : memref<10240xf32, #tpu.memory_space<vmem>> -> memref<640xf32, #tpu.memory_space<vmem>>
      %dma_start3A_56 = tpu.memref_slice %arg22[%run_scoped3A_24, %multiple_of3A_9] : memref<16x10240xf32, #tpu.memory_space<vmem_shared>> -> memref<1x640xf32, #tpu.memory_space<vmem_shared>>
      %dma_start3A_57 = tpu.memref_squeeze %dma_start3A_56 : memref<1x640xf32, #tpu.memory_space<vmem_shared>> -> memref<640xf32, #tpu.memory_space<vmem_shared>>
      tpu.enqueue_dma source(%dma_start3A_57 : memref<640xf32, #tpu.memory_space<vmem_shared>>) target(%dma_start3A_55 : memref<640xf32, #tpu.memory_space<vmem>>) target_semaphore(%run_scoped3A_50 : memref<!tpu.dma_semaphore, #tpu.memory_space<semaphore_mem>>)
      %dma_wait3A = arith.constant 9600 : i32
      %dma_wait3A_58 = tpu.memref_slice %arg14[%dma_wait3A] : memref<10240xf32, #tpu.memory_space<vmem>> -> memref<640xf32, #tpu.memory_space<vmem>>
      %dma_wait3A_59 = tpu.memref_slice %arg22[%run_scoped3A_24, %multiple_of3A_9] : memref<16x10240xf32, #tpu.memory_space<vmem_shared>> -> memref<1x640xf32, #tpu.memory_space<vmem_shared>>
      %dma_wait3A_60 = tpu.memref_squeeze %dma_wait3A_59 : memref<1x640xf32, #tpu.memory_space<vmem_shared>> -> memref<640xf32, #tpu.memory_space<vmem_shared>>
      %dma_wait3A_61 = arith.constant 9600 : i32
      %dma_wait3A_62 = tpu.memref_slice %arg14[%dma_wait3A_61] : memref<10240xf32, #tpu.memory_space<vmem>> -> memref<640xf32, #tpu.memory_space<vmem>>
      %dma_wait3A_63 = tpu.memref_slice %arg22[%run_scoped3A_24, %multiple_of3A_9] : memref<16x10240xf32, #tpu.memory_space<vmem_shared>> -> memref<1x640xf32, #tpu.memory_space<vmem_shared>>
      %dma_wait3A_64 = tpu.memref_squeeze %dma_wait3A_63 : memref<1x640xf32, #tpu.memory_space<vmem_shared>> -> memref<640xf32, #tpu.memory_space<vmem_shared>>
      tpu.wait_dma2 semaphore(%run_scoped3A_50 : memref<!tpu.dma_semaphore, #tpu.memory_space<semaphore_mem>>) src(%dma_wait3A_64 : memref<640xf32, #tpu.memory_space<vmem_shared>>) dst(%dma_wait3A_62 : memref<640xf32, #tpu.memory_space<vmem>>)
      tpu.yield
    }) : () -> ()
    "tpu.region"() ({
      %run_scoped3A_50 = tpu.sem_alloc : memref<!tpu.dma_semaphore, #tpu.memory_space<semaphore_mem>>
      %dma_start3A = tpu.memref_slice %arg4[%multiple_of3A_9] : memref<10240xf32, #tpu.memory_space<hbm>> -> memref<640xf32, #tpu.memory_space<hbm>>
      %dma_start3A_51 = tpu.memref_slice %arg4[%multiple_of3A_9] : memref<10240xf32, #tpu.memory_space<hbm>> -> memref<640xf32, #tpu.memory_space<hbm>>
      tpu.enqueue_dma source(%dma_start3A_51 : memref<640xf32, #tpu.memory_space<hbm>>) target(%arg20 : memref<640xf32, #tpu.memory_space<vmem>>) target_semaphore(%run_scoped3A_50 : memref<!tpu.dma_semaphore, #tpu.memory_space<semaphore_mem>>)
      %dma_wait3A = tpu.memref_slice %arg4[%multiple_of3A_9] : memref<10240xf32, #tpu.memory_space<hbm>> -> memref<640xf32, #tpu.memory_space<hbm>>
      %dma_wait3A_52 = tpu.memref_slice %arg4[%multiple_of3A_9] : memref<10240xf32, #tpu.memory_space<hbm>> -> memref<640xf32, #tpu.memory_space<hbm>>
      tpu.wait_dma2 semaphore(%run_scoped3A_50 : memref<!tpu.dma_semaphore, #tpu.memory_space<semaphore_mem>>) src(%dma_wait3A_52 : memref<640xf32, #tpu.memory_space<hbm>>) dst(%arg20 : memref<640xf32, #tpu.memory_space<vmem>>)
      tpu.yield
    }) : () -> ()
    "tpu.region"() ({
      %run_scoped3A_50 = tpu.sem_alloc : memref<!tpu.dma_semaphore, #tpu.memory_space<semaphore_mem>>
      %dma_start3A = tpu.memref_slice %arg5[%multiple_of3A_9] : memref<10240xf32, #tpu.memory_space<hbm>> -> memref<640xf32, #tpu.memory_space<hbm>>
      %dma_start3A_51 = tpu.memref_slice %arg5[%multiple_of3A_9] : memref<10240xf32, #tpu.memory_space<hbm>> -> memref<640xf32, #tpu.memory_space<hbm>>
      tpu.enqueue_dma source(%dma_start3A_51 : memref<640xf32, #tpu.memory_space<hbm>>) target(%arg21 : memref<640xf32, #tpu.memory_space<vmem>>) target_semaphore(%run_scoped3A_50 : memref<!tpu.dma_semaphore, #tpu.memory_space<semaphore_mem>>)
      %dma_wait3A = tpu.memref_slice %arg5[%multiple_of3A_9] : memref<10240xf32, #tpu.memory_space<hbm>> -> memref<640xf32, #tpu.memory_space<hbm>>
      %dma_wait3A_52 = tpu.memref_slice %arg5[%multiple_of3A_9] : memref<10240xf32, #tpu.memory_space<hbm>> -> memref<640xf32, #tpu.memory_space<hbm>>
      tpu.wait_dma2 semaphore(%run_scoped3A_50 : memref<!tpu.dma_semaphore, #tpu.memory_space<semaphore_mem>>) src(%dma_wait3A_52 : memref<640xf32, #tpu.memory_space<hbm>>) dst(%arg21 : memref<640xf32, #tpu.memory_space<vmem>>)
      tpu.yield
    }) : () -> ()
    %broadcast_in_dim3A_25 = arith.constant 5.000000e-01 : f32
    %broadcast_in_dim3A_26 = vector.broadcast %broadcast_in_dim3A_25 : f32 to vector<16xf32>
    %broadcast_in_dim3A_27 = arith.constant 1.500000e+00 : f32
    %broadcast_in_dim3A_28 = vector.broadcast %broadcast_in_dim3A_27 : f32 to vector<16xf32>
    %broadcast_in_dim3A_29 = arith.constant 1597463007 : i32
    %broadcast_in_dim3A_30 = vector.broadcast %broadcast_in_dim3A_29 : i32 to vector<16xi32>
    %broadcast_in_dim3A_31 = arith.constant 1 : i32
    %broadcast_in_dim3A_32 = vector.broadcast %broadcast_in_dim3A_31 : i32 to vector<16xi32>
    %parallel_loop3A_33 = arith.constant 0 : i32
    %parallel_loop3A_34 = arith.constant 640 : i32
    %parallel_loop3A_35 = arith.constant 16 : i32
    scf.for %parallel_loop3A_50 = %parallel_loop3A_33 to %parallel_loop3A_34 step %parallel_loop3A_35  : i32 {
      %parallel_loop3A_51 = arith.index_cast %parallel_loop3A_50 : i32 to index
      %parallel_loop3A_52 = tpu.vector_load %arg14[%parallel_loop3A_51] {strides = array<i32>} : memref<10240xf32, #tpu.memory_space<vmem>>, vector<16xf32>,
      %parallel_loop3A_53 = arith.constant 640 : i32
      %parallel_loop3A_54 = arith.addi %parallel_loop3A_53, %parallel_loop3A_50 : i32
      %parallel_loop3A_55 = arith.index_cast %parallel_loop3A_54 : i32 to index
      %parallel_loop3A_56 = tpu.vector_load %arg14[%parallel_loop3A_55] {strides = array<i32>} : memref<10240xf32, #tpu.memory_space<vmem>>, vector<16xf32>,
      %parallel_loop3A_57 = arith.addf %parallel_loop3A_52, %parallel_loop3A_56 : vector<16xf32>
      %parallel_loop3A_58 = arith.constant 1280 : i32
      %parallel_loop3A_59 = arith.addi %parallel_loop3A_58, %parallel_loop3A_50 : i32
      %parallel_loop3A_60 = arith.index_cast %parallel_loop3A_59 : i32 to index
      %parallel_loop3A_61 = tpu.vector_load %arg14[%parallel_loop3A_60] {strides = array<i32>} : memref<10240xf32, #tpu.memory_space<vmem>>, vector<16xf32>,
      %parallel_loop3A_62 = arith.addf %parallel_loop3A_57, %parallel_loop3A_61 : vector<16xf32>
      %parallel_loop3A_63 = arith.constant 1920 : i32
      %parallel_loop3A_64 = arith.addi %parallel_loop3A_63, %parallel_loop3A_50 : i32
      %parallel_loop3A_65 = arith.index_cast %parallel_loop3A_64 : i32 to index
      %parallel_loop3A_66 = tpu.vector_load %arg14[%parallel_loop3A_65] {strides = array<i32>} : memref<10240xf32, #tpu.memory_space<vmem>>, vector<16xf32>,
      %parallel_loop3A_67 = arith.addf %parallel_loop3A_62, %parallel_loop3A_66 : vector<16xf32>
      %parallel_loop3A_68 = arith.constant 2560 : i32
      %parallel_loop3A_69 = arith.addi %parallel_loop3A_68, %parallel_loop3A_50 : i32
      %parallel_loop3A_70 = arith.index_cast %parallel_loop3A_69 : i32 to index
      %parallel_loop3A_71 = tpu.vector_load %arg14[%parallel_loop3A_70] {strides = array<i32>} : memref<10240xf32, #tpu.memory_space<vmem>>, vector<16xf32>,
      %parallel_loop3A_72 = arith.addf %parallel_loop3A_67, %parallel_loop3A_71 : vector<16xf32>
      %parallel_loop3A_73 = arith.constant 3200 : i32
      %parallel_loop3A_74 = arith.addi %parallel_loop3A_73, %parallel_loop3A_50 : i32
      %parallel_loop3A_75 = arith.index_cast %parallel_loop3A_74 : i32 to index
      %parallel_loop3A_76 = tpu.vector_load %arg14[%parallel_loop3A_75] {strides = array<i32>} : memref<10240xf32, #tpu.memory_space<vmem>>, vector<16xf32>,
      %parallel_loop3A_77 = arith.addf %parallel_loop3A_72, %parallel_loop3A_76 : vector<16xf32>
      %parallel_loop3A_78 = arith.constant 3840 : i32
      %parallel_loop3A_79 = arith.addi %parallel_loop3A_78, %parallel_loop3A_50 : i32
      %parallel_loop3A_80 = arith.index_cast %parallel_loop3A_79 : i32 to index
      %parallel_loop3A_81 = tpu.vector_load %arg14[%parallel_loop3A_80] {strides = array<i32>} : memref<10240xf32, #tpu.memory_space<vmem>>, vector<16xf32>,
      %parallel_loop3A_82 = arith.addf %parallel_loop3A_77, %parallel_loop3A_81 : vector<16xf32>
      %parallel_loop3A_83 = arith.constant 4480 : i32
      %parallel_loop3A_84 = arith.addi %parallel_loop3A_83, %parallel_loop3A_50 : i32
      %parallel_loop3A_85 = arith.index_cast %parallel_loop3A_84 : i32 to index
      %parallel_loop3A_86 = tpu.vector_load %arg14[%parallel_loop3A_85] {strides = array<i32>} : memref<10240xf32, #tpu.memory_space<vmem>>, vector<16xf32>,
      %parallel_loop3A_87 = arith.addf %parallel_loop3A_82, %parallel_loop3A_86 : vector<16xf32>
      %parallel_loop3A_88 = arith.constant 5120 : i32
      %parallel_loop3A_89 = arith.addi %parallel_loop3A_88, %parallel_loop3A_50 : i32
      %parallel_loop3A_90 = arith.index_cast %parallel_loop3A_89 : i32 to index
      %parallel_loop3A_91 = tpu.vector_load %arg14[%parallel_loop3A_90] {strides = array<i32>} : memref<10240xf32, #tpu.memory_space<vmem>>, vector<16xf32>,
      %parallel_loop3A_92 = arith.addf %parallel_loop3A_87, %parallel_loop3A_91 : vector<16xf32>
      %parallel_loop3A_93 = arith.constant 5760 : i32
      %parallel_loop3A_94 = arith.addi %parallel_loop3A_93, %parallel_loop3A_50 : i32
      %parallel_loop3A_95 = arith.index_cast %parallel_loop3A_94 : i32 to index
      %parallel_loop3A_96 = tpu.vector_load %arg14[%parallel_loop3A_95] {strides = array<i32>} : memref<10240xf32, #tpu.memory_space<vmem>>, vector<16xf32>,
      %parallel_loop3A_97 = arith.addf %parallel_loop3A_92, %parallel_loop3A_96 : vector<16xf32>
      %parallel_loop3A_98 = arith.constant 6400 : i32
      %parallel_loop3A_99 = arith.addi %parallel_loop3A_98, %parallel_loop3A_50 : i32
      %parallel_loop3A_100 = arith.index_cast %parallel_loop3A_99 : i32 to index
      %parallel_loop3A_101 = tpu.vector_load %arg14[%parallel_loop3A_100] {strides = array<i32>} : memref<10240xf32, #tpu.memory_space<vmem>>, vector<16xf32>,
      %parallel_loop3A_102 = arith.addf %parallel_loop3A_97, %parallel_loop3A_101 : vector<16xf32>
      %parallel_loop3A_103 = arith.constant 7040 : i32
      %parallel_loop3A_104 = arith.addi %parallel_loop3A_103, %parallel_loop3A_50 : i32
      %parallel_loop3A_105 = arith.index_cast %parallel_loop3A_104 : i32 to index
      %parallel_loop3A_106 = tpu.vector_load %arg14[%parallel_loop3A_105] {strides = array<i32>} : memref<10240xf32, #tpu.memory_space<vmem>>, vector<16xf32>,
      %parallel_loop3A_107 = arith.addf %parallel_loop3A_102, %parallel_loop3A_106 : vector<16xf32>
      %parallel_loop3A_108 = arith.constant 7680 : i32
      %parallel_loop3A_109 = arith.addi %parallel_loop3A_108, %parallel_loop3A_50 : i32
      %parallel_loop3A_110 = arith.index_cast %parallel_loop3A_109 : i32 to index
      %parallel_loop3A_111 = tpu.vector_load %arg14[%parallel_loop3A_110] {strides = array<i32>} : memref<10240xf32, #tpu.memory_space<vmem>>, vector<16xf32>,
      %parallel_loop3A_112 = arith.addf %parallel_loop3A_107, %parallel_loop3A_111 : vector<16xf32>
      %parallel_loop3A_113 = arith.constant 8320 : i32
      %parallel_loop3A_114 = arith.addi %parallel_loop3A_113, %parallel_loop3A_50 : i32
      %parallel_loop3A_115 = arith.index_cast %parallel_loop3A_114 : i32 to index
      %parallel_loop3A_116 = tpu.vector_load %arg14[%parallel_loop3A_115] {strides = array<i32>} : memref<10240xf32, #tpu.memory_space<vmem>>, vector<16xf32>,
      %parallel_loop3A_117 = arith.addf %parallel_loop3A_112, %parallel_loop3A_116 : vector<16xf32>
      %parallel_loop3A_118 = arith.constant 8960 : i32
      %parallel_loop3A_119 = arith.addi %parallel_loop3A_118, %parallel_loop3A_50 : i32
      %parallel_loop3A_120 = arith.index_cast %parallel_loop3A_119 : i32 to index
      %parallel_loop3A_121 = tpu.vector_load %arg14[%parallel_loop3A_120] {strides = array<i32>} : memref<10240xf32, #tpu.memory_space<vmem>>, vector<16xf32>,
      %parallel_loop3A_122 = arith.addf %parallel_loop3A_117, %parallel_loop3A_121 : vector<16xf32>
      %parallel_loop3A_123 = arith.constant 9600 : i32
      %parallel_loop3A_124 = arith.addi %parallel_loop3A_123, %parallel_loop3A_50 : i32
      %parallel_loop3A_125 = arith.index_cast %parallel_loop3A_124 : i32 to index
      %parallel_loop3A_126 = tpu.vector_load %arg14[%parallel_loop3A_125] {strides = array<i32>} : memref<10240xf32, #tpu.memory_space<vmem>>, vector<16xf32>,
      %parallel_loop3A_127 = arith.addf %parallel_loop3A_122, %parallel_loop3A_126 : vector<16xf32>
      %parallel_loop3A_128 = arith.constant 1.000000e+00 : f32
      %parallel_loop3A_129 = vector.broadcast %parallel_loop3A_128 : f32 to vector<16xf32>
      %parallel_loop3A_130 = arith.addf %parallel_loop3A_127, %parallel_loop3A_129 : vector<16xf32>
      %parallel_loop3A_131 = vector.bitcast %parallel_loop3A_130 : vector<16xf32> to vector<16xi32>
      %parallel_loop3A_132 = arith.shrui %parallel_loop3A_131, %broadcast_in_dim3A_32 : vector<16xi32>
      %parallel_loop3A_133 = arith.subi %broadcast_in_dim3A_30, %parallel_loop3A_132 : vector<16xi32>
      %parallel_loop3A_134 = vector.bitcast %parallel_loop3A_133 : vector<16xi32> to vector<16xf32>
      %parallel_loop3A_135 = arith.mulf %broadcast_in_dim3A_26, %parallel_loop3A_130 : vector<16xf32>
      %parallel_loop3A_136 = arith.mulf %parallel_loop3A_135, %parallel_loop3A_134 : vector<16xf32>
      %parallel_loop3A_137 = arith.mulf %parallel_loop3A_136, %parallel_loop3A_134 : vector<16xf32>
      %parallel_loop3A_138 = arith.subf %broadcast_in_dim3A_28, %parallel_loop3A_137 : vector<16xf32>
      %parallel_loop3A_139 = arith.mulf %parallel_loop3A_134, %parallel_loop3A_138 : vector<16xf32>
      %parallel_loop3A_140 = arith.mulf %broadcast_in_dim3A_26, %parallel_loop3A_130 : vector<16xf32>
      %parallel_loop3A_141 = arith.mulf %parallel_loop3A_140, %parallel_loop3A_139 : vector<16xf32>
      %parallel_loop3A_142 = arith.mulf %parallel_loop3A_141, %parallel_loop3A_139 : vector<16xf32>
      %parallel_loop3A_143 = arith.subf %broadcast_in_dim3A_28, %parallel_loop3A_142 : vector<16xf32>
      %parallel_loop3A_144 = arith.mulf %parallel_loop3A_139, %parallel_loop3A_143 : vector<16xf32>
      %parallel_loop3A_145 = arith.mulf %broadcast_in_dim3A_26, %parallel_loop3A_130 : vector<16xf32>
      %parallel_loop3A_146 = arith.mulf %parallel_loop3A_145, %parallel_loop3A_144 : vector<16xf32>
      %parallel_loop3A_147 = arith.mulf %parallel_loop3A_146, %parallel_loop3A_144 : vector<16xf32>
      %parallel_loop3A_148 = arith.subf %broadcast_in_dim3A_28, %parallel_loop3A_147 : vector<16xf32>
      %parallel_loop3A_149 = arith.mulf %parallel_loop3A_144, %parallel_loop3A_148 : vector<16xf32>
      %parallel_loop3A_150 = arith.index_cast %parallel_loop3A_50 : i32 to index
      %parallel_loop3A_151 = tpu.vector_load %arg19[%parallel_loop3A_150] {strides = array<i32>} : memref<640xf32, #tpu.memory_space<vmem>>, vector<16xf32>,
      tpu.vector_store %arg19[%parallel_loop3A_150], %parallel_loop3A_149 {strides = array<i32>} : memref<640xf32, #tpu.memory_space<vmem>>, vector<16xf32>,
      %parallel_loop3A_152 = arith.index_cast %parallel_loop3A_50 : i32 to index
      %parallel_loop3A_153 = tpu.vector_load %arg20[%parallel_loop3A_152] {strides = array<i32>} : memref<640xf32, #tpu.memory_space<vmem>>, vector<16xf32>,
      %parallel_loop3A_154 = arith.mulf %parallel_loop3A_153, %parallel_loop3A_149 : vector<16xf32>
      %parallel_loop3A_155 = arith.index_cast %parallel_loop3A_50 : i32 to index
      %parallel_loop3A_156 = tpu.vector_load %arg20[%parallel_loop3A_155] {strides = array<i32>} : memref<640xf32, #tpu.memory_space<vmem>>, vector<16xf32>,
      tpu.vector_store %arg20[%parallel_loop3A_155], %parallel_loop3A_154 {strides = array<i32>} : memref<640xf32, #tpu.memory_space<vmem>>, vector<16xf32>,
      %parallel_loop3A_157 = arith.index_cast %parallel_loop3A_50 : i32 to index
      %parallel_loop3A_158 = tpu.vector_load %arg21[%parallel_loop3A_157] {strides = array<i32>} : memref<640xf32, #tpu.memory_space<vmem>>, vector<16xf32>,
      %parallel_loop3A_159 = arith.mulf %parallel_loop3A_158, %parallel_loop3A_149 : vector<16xf32>
      %parallel_loop3A_160 = arith.index_cast %parallel_loop3A_50 : i32 to index
      %parallel_loop3A_161 = tpu.vector_load %arg21[%parallel_loop3A_160] {strides = array<i32>} : memref<640xf32, #tpu.memory_space<vmem>>, vector<16xf32>,
      tpu.vector_store %arg21[%parallel_loop3A_160], %parallel_loop3A_159 {strides = array<i32>} : memref<640xf32, #tpu.memory_space<vmem>>, vector<16xf32>,
    } {sc.loop_unroll_factor = 4 : i64, sc.parallel_access}
    "tpu.region"() ({
      %run_scoped3A_50 = tpu.sem_alloc : memref<!tpu.dma_semaphore, #tpu.memory_space<semaphore_mem>>
      %dma_start3A = tpu.memref_slice %arg23[%multiple_of3A_9] : memref<10240xf32, #tpu.memory_space<vmem_shared>> -> memref<640xf32, #tpu.memory_space<vmem_shared>>
      %dma_start3A_51 = tpu.memref_slice %arg23[%multiple_of3A_9] : memref<10240xf32, #tpu.memory_space<vmem_shared>> -> memref<640xf32, #tpu.memory_space<vmem_shared>>
      tpu.enqueue_dma source(%arg20 : memref<640xf32, #tpu.memory_space<vmem>>) target(%dma_start3A_51 : memref<640xf32, #tpu.memory_space<vmem_shared>>) target_semaphore(%run_scoped3A_50 : memref<!tpu.dma_semaphore, #tpu.memory_space<semaphore_mem>>)
      %dma_wait3A = tpu.memref_slice %arg23[%multiple_of3A_9] : memref<10240xf32, #tpu.memory_space<vmem_shared>> -> memref<640xf32, #tpu.memory_space<vmem_shared>>
      %dma_wait3A_52 = tpu.memref_slice %arg23[%multiple_of3A_9] : memref<10240xf32, #tpu.memory_space<vmem_shared>> -> memref<640xf32, #tpu.memory_space<vmem_shared>>
      tpu.wait_dma2 semaphore(%run_scoped3A_50 : memref<!tpu.dma_semaphore, #tpu.memory_space<semaphore_mem>>) src(%arg20 : memref<640xf32, #tpu.memory_space<vmem>>) dst(%dma_wait3A_52 : memref<640xf32, #tpu.memory_space<vmem_shared>>)
      tpu.yield
    }) : () -> ()
    "tpu.region"() ({
      %run_scoped3A_50 = tpu.sem_alloc : memref<!tpu.dma_semaphore, #tpu.memory_space<semaphore_mem>>
      %dma_start3A = tpu.memref_slice %arg24[%multiple_of3A_9] : memref<10240xf32, #tpu.memory_space<vmem_shared>> -> memref<640xf32, #tpu.memory_space<vmem_shared>>
      %dma_start3A_51 = tpu.memref_slice %arg24[%multiple_of3A_9] : memref<10240xf32, #tpu.memory_space<vmem_shared>> -> memref<640xf32, #tpu.memory_space<vmem_shared>>
      tpu.enqueue_dma source(%arg21 : memref<640xf32, #tpu.memory_space<vmem>>) target(%dma_start3A_51 : memref<640xf32, #tpu.memory_space<vmem_shared>>) target_semaphore(%run_scoped3A_50 : memref<!tpu.dma_semaphore, #tpu.memory_space<semaphore_mem>>)
      %dma_wait3A = tpu.memref_slice %arg24[%multiple_of3A_9] : memref<10240xf32, #tpu.memory_space<vmem_shared>> -> memref<640xf32, #tpu.memory_space<vmem_shared>>
      %dma_wait3A_52 = tpu.memref_slice %arg24[%multiple_of3A_9] : memref<10240xf32, #tpu.memory_space<vmem_shared>> -> memref<640xf32, #tpu.memory_space<vmem_shared>>
      tpu.wait_dma2 semaphore(%run_scoped3A_50 : memref<!tpu.dma_semaphore, #tpu.memory_space<semaphore_mem>>) src(%arg21 : memref<640xf32, #tpu.memory_space<vmem>>) dst(%dma_wait3A_52 : memref<640xf32, #tpu.memory_space<vmem_shared>>)
      tpu.yield
    }) : () -> ()
    "tpu.region"() ({
      %run_scoped3A_50 = tpu.sem_alloc : memref<!tpu.dma_semaphore, #tpu.memory_space<semaphore_mem>>
      %dma_start3A = tpu.memref_slice %arg6[%arg0, %multiple_of3A_9] : memref<2x10240xf32, #tpu.memory_space<hbm>> -> memref<1x640xf32, #tpu.memory_space<hbm>>
      %dma_start3A_51 = tpu.memref_squeeze %dma_start3A : memref<1x640xf32, #tpu.memory_space<hbm>> -> memref<640xf32, #tpu.memory_space<hbm>>
      %dma_start3A_52 = tpu.memref_slice %arg6[%arg0, %multiple_of3A_9] : memref<2x10240xf32, #tpu.memory_space<hbm>> -> memref<1x640xf32, #tpu.memory_space<hbm>>
      %dma_start3A_53 = tpu.memref_squeeze %dma_start3A_52 : memref<1x640xf32, #tpu.memory_space<hbm>> -> memref<640xf32, #tpu.memory_space<hbm>>
      tpu.enqueue_dma source(%arg19 : memref<640xf32, #tpu.memory_space<vmem>>) target(%dma_start3A_53 : memref<640xf32, #tpu.memory_space<hbm>>) target_semaphore(%run_scoped3A_50 : memref<!tpu.dma_semaphore, #tpu.memory_space<semaphore_mem>>)
      %dma_wait3A = tpu.memref_slice %arg6[%arg0, %multiple_of3A_9] : memref<2x10240xf32, #tpu.memory_space<hbm>> -> memref<1x640xf32, #tpu.memory_space<hbm>>
      %dma_wait3A_54 = tpu.memref_squeeze %dma_wait3A : memref<1x640xf32, #tpu.memory_space<hbm>> -> memref<640xf32, #tpu.memory_space<hbm>>
      %dma_wait3A_55 = tpu.memref_slice %arg6[%arg0, %multiple_of3A_9] : memref<2x10240xf32, #tpu.memory_space<hbm>> -> memref<1x640xf32, #tpu.memory_space<hbm>>
      %dma_wait3A_56 = tpu.memref_squeeze %dma_wait3A_55 : memref<1x640xf32, #tpu.memory_space<hbm>> -> memref<640xf32, #tpu.memory_space<hbm>>
      tpu.wait_dma2 semaphore(%run_scoped3A_50 : memref<!tpu.dma_semaphore, #tpu.memory_space<semaphore_mem>>) src(%arg19 : memref<640xf32, #tpu.memory_space<vmem>>) dst(%dma_wait3A_56 : memref<640xf32, #tpu.memory_space<hbm>>)
      tpu.yield
    }) : () -> ()
    "tpu.region"() ({
      %run_scoped3A_50 = tpu.sem_alloc : memref<!tpu.dma_semaphore, #tpu.memory_space<semaphore_mem>>
      %dma_start3A = tpu.memref_slice %arg7[%arg0, %multiple_of3A_9] : memref<2x10240xf32, #tpu.memory_space<hbm>> -> memref<1x640xf32, #tpu.memory_space<hbm>>
      %dma_start3A_51 = tpu.memref_squeeze %dma_start3A : memref<1x640xf32, #tpu.memory_space<hbm>> -> memref<640xf32, #tpu.memory_space<hbm>>
      %dma_start3A_52 = tpu.memref_slice %arg7[%arg0, %multiple_of3A_9] : memref<2x10240xf32, #tpu.memory_space<hbm>> -> memref<1x640xf32, #tpu.memory_space<hbm>>
      %dma_start3A_53 = tpu.memref_squeeze %dma_start3A_52 : memref<1x640xf32, #tpu.memory_space<hbm>> -> memref<640xf32, #tpu.memory_space<hbm>>
      tpu.enqueue_dma source(%arg20 : memref<640xf32, #tpu.memory_space<vmem>>) target(%dma_start3A_53 : memref<640xf32, #tpu.memory_space<hbm>>) target_semaphore(%run_scoped3A_50 : memref<!tpu.dma_semaphore, #tpu.memory_space<semaphore_mem>>)
      %dma_wait3A = tpu.memref_slice %arg7[%arg0, %multiple_of3A_9] : memref<2x10240xf32, #tpu.memory_space<hbm>> -> memref<1x640xf32, #tpu.memory_space<hbm>>
      %dma_wait3A_54 = tpu.memref_squeeze %dma_wait3A : memref<1x640xf32, #tpu.memory_space<hbm>> -> memref<640xf32, #tpu.memory_space<hbm>>
      %dma_wait3A_55 = tpu.memref_slice %arg7[%arg0, %multiple_of3A_9] : memref<2x10240xf32, #tpu.memory_space<hbm>> -> memref<1x640xf32, #tpu.memory_space<hbm>>
      %dma_wait3A_56 = tpu.memref_squeeze %dma_wait3A_55 : memref<1x640xf32, #tpu.memory_space<hbm>> -> memref<640xf32, #tpu.memory_space<hbm>>
      tpu.wait_dma2 semaphore(%run_scoped3A_50 : memref<!tpu.dma_semaphore, #tpu.memory_space<semaphore_mem>>) src(%arg20 : memref<640xf32, #tpu.memory_space<vmem>>) dst(%dma_wait3A_56 : memref<640xf32, #tpu.memory_space<hbm>>)
      tpu.yield
    }) : () -> ()
    "tpu.region"() ({
      %run_scoped3A_50 = tpu.sem_alloc : memref<!tpu.dma_semaphore, #tpu.memory_space<semaphore_mem>>
      %dma_start3A = tpu.memref_slice %arg8[%arg0, %multiple_of3A_9] : memref<2x10240xf32, #tpu.memory_space<hbm>> -> memref<1x640xf32, #tpu.memory_space<hbm>>
      %dma_start3A_51 = tpu.memref_squeeze %dma_start3A : memref<1x640xf32, #tpu.memory_space<hbm>> -> memref<640xf32, #tpu.memory_space<hbm>>
      %dma_start3A_52 = tpu.memref_slice %arg8[%arg0, %multiple_of3A_9] : memref<2x10240xf32, #tpu.memory_space<hbm>> -> memref<1x640xf32, #tpu.memory_space<hbm>>
      %dma_start3A_53 = tpu.memref_squeeze %dma_start3A_52 : memref<1x640xf32, #tpu.memory_space<hbm>> -> memref<640xf32, #tpu.memory_space<hbm>>
      tpu.enqueue_dma source(%arg21 : memref<640xf32, #tpu.memory_space<vmem>>) target(%dma_start3A_53 : memref<640xf32, #tpu.memory_space<hbm>>) target_semaphore(%run_scoped3A_50 : memref<!tpu.dma_semaphore, #tpu.memory_space<semaphore_mem>>)
      %dma_wait3A = tpu.memref_slice %arg8[%arg0, %multiple_of3A_9] : memref<2x10240xf32, #tpu.memory_space<hbm>> -> memref<1x640xf32, #tpu.memory_space<hbm>>
      %dma_wait3A_54 = tpu.memref_squeeze %dma_wait3A : memref<1x640xf32, #tpu.memory_space<hbm>> -> memref<640xf32, #tpu.memory_space<hbm>>
      %dma_wait3A_55 = tpu.memref_slice %arg8[%arg0, %multiple_of3A_9] : memref<2x10240xf32, #tpu.memory_space<hbm>> -> memref<1x640xf32, #tpu.memory_space<hbm>>
      %dma_wait3A_56 = tpu.memref_squeeze %dma_wait3A_55 : memref<1x640xf32, #tpu.memory_space<hbm>> -> memref<640xf32, #tpu.memory_space<hbm>>
      tpu.wait_dma2 semaphore(%run_scoped3A_50 : memref<!tpu.dma_semaphore, #tpu.memory_space<semaphore_mem>>) src(%arg21 : memref<640xf32, #tpu.memory_space<vmem>>) dst(%dma_wait3A_56 : memref<640xf32, #tpu.memory_space<hbm>>)
      tpu.yield
    }) : () -> ()
    %barrier3A_36 = arith.constant 0 : index
    tpu.barrier barrier_id(%barrier3A_36)
    "tpu.region"() ({
      %run_scoped3A_50 = tpu.sem_alloc : memref<!tpu.dma_semaphore, #tpu.memory_space<semaphore_mem>>
      tpu.enqueue_dma source(%arg23 : memref<10240xf32, #tpu.memory_space<vmem_shared>>) target(%arg15 : memref<10240xf32, #tpu.memory_space<vmem>>) target_semaphore(%run_scoped3A_50 : memref<!tpu.dma_semaphore, #tpu.memory_space<semaphore_mem>>)
      tpu.wait_dma2 semaphore(%run_scoped3A_50 : memref<!tpu.dma_semaphore, #tpu.memory_space<semaphore_mem>>) src(%arg23 : memref<10240xf32, #tpu.memory_space<vmem_shared>>) dst(%arg15 : memref<10240xf32, #tpu.memory_space<vmem>>)
      tpu.yield
    }) : () -> ()
    "tpu.region"() ({
      %run_scoped3A_50 = tpu.sem_alloc : memref<!tpu.dma_semaphore, #tpu.memory_space<semaphore_mem>>
      tpu.enqueue_dma source(%arg24 : memref<10240xf32, #tpu.memory_space<vmem_shared>>) target(%arg16 : memref<10240xf32, #tpu.memory_space<vmem>>) target_semaphore(%run_scoped3A_50 : memref<!tpu.dma_semaphore, #tpu.memory_space<semaphore_mem>>)
      tpu.wait_dma2 semaphore(%run_scoped3A_50 : memref<!tpu.dma_semaphore, #tpu.memory_space<semaphore_mem>>) src(%arg24 : memref<10240xf32, #tpu.memory_space<vmem_shared>>) dst(%arg16 : memref<10240xf32, #tpu.memory_space<vmem>>)
      tpu.yield
    }) : () -> ()
    %mul3A_37 = arith.constant 20000 : i32
    %mul3A_38 = arith.muli %arg1, %mul3A_37 : i32
    %mul3A_39 = arith.constant 10000 : i32
    %mul3A_40 = arith.muli %arg0, %mul3A_39 : i32
    %add3A = arith.addi %mul3A_38, %mul3A_40 : i32
    %multiple_of3A_41 = tpu.assume_multiple %add3A, 8 : i32
    "tpu.region"() ({
      %run_scoped3A_50 = tpu.sem_alloc : memref<!tpu.dma_semaphore, #tpu.memory_space<semaphore_mem>>
      %dma_start3A = tpu.memref_slice %arg2[%multiple_of3A_41] : memref<320000xi32, #tpu.memory_space<hbm>> -> memref<10000xi32, #tpu.memory_space<hbm>>
      %dma_start3A_51 = tpu.memref_slice %arg2[%multiple_of3A_41] : memref<320000xi32, #tpu.memory_space<hbm>> -> memref<10000xi32, #tpu.memory_space<hbm>>
      tpu.enqueue_dma source(%dma_start3A_51 : memref<10000xi32, #tpu.memory_space<hbm>>) target(%arg12 : memref<10000xi32, #tpu.memory_space<vmem>>) target_semaphore(%run_scoped3A_50 : memref<!tpu.dma_semaphore, #tpu.memory_space<semaphore_mem>>)
      %dma_wait3A = tpu.memref_slice %arg2[%multiple_of3A_41] : memref<320000xi32, #tpu.memory_space<hbm>> -> memref<10000xi32, #tpu.memory_space<hbm>>
      %dma_wait3A_52 = tpu.memref_slice %arg2[%multiple_of3A_41] : memref<320000xi32, #tpu.memory_space<hbm>> -> memref<10000xi32, #tpu.memory_space<hbm>>
      tpu.wait_dma2 semaphore(%run_scoped3A_50 : memref<!tpu.dma_semaphore, #tpu.memory_space<semaphore_mem>>) src(%dma_wait3A_52 : memref<10000xi32, #tpu.memory_space<hbm>>) dst(%arg12 : memref<10000xi32, #tpu.memory_space<vmem>>)
      tpu.yield
    }) : () -> ()
    %mul3A_42 = arith.constant 10000 : i32
    %mul3A_43 = arith.muli %arg0, %mul3A_42 : i32
    %parallel_loop3A_44 = arith.constant 0 : i32
    %parallel_loop3A_45 = arith.constant 10000 : i32
    %parallel_loop3A_46 = arith.constant 16 : i32
    scf.for %parallel_loop3A_50 = %parallel_loop3A_44 to %parallel_loop3A_45 step %parallel_loop3A_46  : i32 {
      %parallel_loop3A_51 = arith.index_cast %parallel_loop3A_50 : i32 to index
      %parallel_loop3A_52 = tpu.vector_load %arg12[%parallel_loop3A_51] {strides = array<i32>} : memref<10000xi32, #tpu.memory_space<vmem>>, vector<16xi32>,
      %parallel_loop3A_53 = arith.addi %mul3A_43, %parallel_loop3A_50 : i32
      %parallel_loop3A_54 = arith.index_cast %parallel_loop3A_53 : i32 to index
      %parallel_loop3A_55 = tpu.vector_load %arg11[%parallel_loop3A_54] {strides = array<i32>} : memref<20000xi32, #tpu.memory_space<vmem>>, vector<16xi32>,
      %parallel_loop3A_56 = tpu.vector_load_idx %arg15[%parallel_loop3A_52] : memref<10240xf32, #tpu.memory_space<vmem>>[vector<16xi32>], vector<16xf32>,
      tpu.vector_store_idx %arg17[%parallel_loop3A_55], %parallel_loop3A_56 {add = true} : memref<10240xf32, #tpu.memory_space<vmem>>[vector<16xi32>], vector<16xf32>,
      %parallel_loop3A_57 = tpu.vector_load_idx %arg16[%parallel_loop3A_52] : memref<10240xf32, #tpu.memory_space<vmem>>[vector<16xi32>], vector<16xf32>,
      tpu.vector_store_idx %arg18[%parallel_loop3A_55], %parallel_loop3A_57 {add = true} : memref<10240xf32, #tpu.memory_space<vmem>>[vector<16xi32>], vector<16xf32>,
    } {sc.loop_unroll_factor = 8 : i64, sc.parallel_access}
    %mul3A_47 = arith.constant 16 : i32
    %mul3A_48 = arith.muli %arg0, %mul3A_47 : i32
    %add3A_49 = arith.addi %mul3A_48, %arg1 : i32
    "tpu.region"() ({
      %run_scoped3A_50 = tpu.sem_alloc : memref<!tpu.dma_semaphore, #tpu.memory_space<semaphore_mem>>
      %dma_start3A = arith.constant 0 : i32
      %dma_start3A_51 = tpu.memref_slice %arg9[%add3A_49, %dma_start3A] : memref<32x10240xf32, #tpu.memory_space<hbm>> -> memref<1x10240xf32, #tpu.memory_space<hbm>>
      %dma_start3A_52 = tpu.memref_squeeze %dma_start3A_51 : memref<1x10240xf32, #tpu.memory_space<hbm>> -> memref<10240xf32, #tpu.memory_space<hbm>>
      %dma_start3A_53 = arith.constant 0 : i32
      %dma_start3A_54 = tpu.memref_slice %arg9[%add3A_49, %dma_start3A_53] : memref<32x10240xf32, #tpu.memory_space<hbm>> -> memref<1x10240xf32, #tpu.memory_space<hbm>>
      %dma_start3A_55 = tpu.memref_squeeze %dma_start3A_54 : memref<1x10240xf32, #tpu.memory_space<hbm>> -> memref<10240xf32, #tpu.memory_space<hbm>>
      tpu.enqueue_dma source(%arg17 : memref<10240xf32, #tpu.memory_space<vmem>>) target(%dma_start3A_55 : memref<10240xf32, #tpu.memory_space<hbm>>) target_semaphore(%run_scoped3A_50 : memref<!tpu.dma_semaphore, #tpu.memory_space<semaphore_mem>>)
      %dma_wait3A = arith.constant 0 : i32
      %dma_wait3A_56 = tpu.memref_slice %arg9[%add3A_49, %dma_wait3A] : memref<32x10240xf32, #tpu.memory_space<hbm>> -> memref<1x10240xf32, #tpu.memory_space<hbm>>
      %dma_wait3A_57 = tpu.memref_squeeze %dma_wait3A_56 : memref<1x10240xf32, #tpu.memory_space<hbm>> -> memref<10240xf32, #tpu.memory_space<hbm>>
      %dma_wait3A_58 = arith.constant 0 : i32
      %dma_wait3A_59 = tpu.memref_slice %arg9[%add3A_49, %dma_wait3A_58] : memref<32x10240xf32, #tpu.memory_space<hbm>> -> memref<1x10240xf32, #tpu.memory_space<hbm>>
      %dma_wait3A_60 = tpu.memref_squeeze %dma_wait3A_59 : memref<1x10240xf32, #tpu.memory_space<hbm>> -> memref<10240xf32, #tpu.memory_space<hbm>>
      tpu.wait_dma2 semaphore(%run_scoped3A_50 : memref<!tpu.dma_semaphore, #tpu.memory_space<semaphore_mem>>) src(%arg17 : memref<10240xf32, #tpu.memory_space<vmem>>) dst(%dma_wait3A_60 : memref<10240xf32, #tpu.memory_space<hbm>>)
      tpu.yield
    }) : () -> ()
    "tpu.region"() ({
      %run_scoped3A_50 = tpu.sem_alloc : memref<!tpu.dma_semaphore, #tpu.memory_space<semaphore_mem>>
      %dma_start3A = arith.constant 0 : i32
      %dma_start3A_51 = tpu.memref_slice %arg10[%add3A_49, %dma_start3A] : memref<32x10240xf32, #tpu.memory_space<hbm>> -> memref<1x10240xf32, #tpu.memory_space<hbm>>
      %dma_start3A_52 = tpu.memref_squeeze %dma_start3A_51 : memref<1x10240xf32, #tpu.memory_space<hbm>> -> memref<10240xf32, #tpu.memory_space<hbm>>
      %dma_start3A_53 = arith.constant 0 : i32
      %dma_start3A_54 = tpu.memref_slice %arg10[%add3A_49, %dma_start3A_53] : memref<32x10240xf32, #tpu.memory_space<hbm>> -> memref<1x10240xf32, #tpu.memory_space<hbm>>
      %dma_start3A_55 = tpu.memref_squeeze %dma_start3A_54 : memref<1x10240xf32, #tpu.memory_space<hbm>> -> memref<10240xf32, #tpu.memory_space<hbm>>
      tpu.enqueue_dma source(%arg18 : memref<10240xf32, #tpu.memory_space<vmem>>) target(%dma_start3A_55 : memref<10240xf32, #tpu.memory_space<hbm>>) target_semaphore(%run_scoped3A_50 : memref<!tpu.dma_semaphore, #tpu.memory_space<semaphore_mem>>)
      %dma_wait3A = arith.constant 0 : i32
      %dma_wait3A_56 = tpu.memref_slice %arg10[%add3A_49, %dma_wait3A] : memref<32x10240xf32, #tpu.memory_space<hbm>> -> memref<1x10240xf32, #tpu.memory_space<hbm>>
      %dma_wait3A_57 = tpu.memref_squeeze %dma_wait3A_56 : memref<1x10240xf32, #tpu.memory_space<hbm>> -> memref<10240xf32, #tpu.memory_space<hbm>>
      %dma_wait3A_58 = arith.constant 0 : i32
      %dma_wait3A_59 = tpu.memref_slice %arg10[%add3A_49, %dma_wait3A_58] : memref<32x10240xf32, #tpu.memory_space<hbm>> -> memref<1x10240xf32, #tpu.memory_space<hbm>>
      %dma_wait3A_60 = tpu.memref_squeeze %dma_wait3A_59 : memref<1x10240xf32, #tpu.memory_space<hbm>> -> memref<10240xf32, #tpu.memory_space<hbm>>
      tpu.wait_dma2 semaphore(%run_scoped3A_50 : memref<!tpu.dma_semaphore, #tpu.memory_space<semaphore_mem>>) src(%arg18 : memref<10240xf32, #tpu.memory_space<vmem>>) dst(%dma_wait3A_60 : memref<10240xf32, #tpu.memory_space<hbm>>)
      tpu.yield
    }) : () -> ()
    return
  }
}

module attributes {stable_mosaic.version = 14 : i64} {
  func.func @body(%arg0: memref<32x10240xf32, #tpu.memory_space<vmem>>, %arg1: memref<32x10240xf32, #tpu.memory_space<vmem>>, %arg2: memref<2x10240xf32, #tpu.memory_space<vmem>>, %arg3: memref<2x10240xf32, #tpu.memory_space<vmem>>, %arg4: memref<2x10240xf32, #tpu.memory_space<vmem>>, %arg5: memref<1x128xf32, #tpu.memory_space<vmem>>, %arg6: memref<128x2xf32, #tpu.memory_space<vmem>>, %arg7: memref<1x2xf32, #tpu.memory_space<vmem>>, %arg8: memref<2x10000xf32, #tpu.memory_space<vmem>>) attributes {dimension_semantics = [], scalar_prefetch = 0 : i64, scratch_operands = 0 : i64, tpu.core_type = #tpu.core_type<tc>} {
    %get3A = arith.constant 0 : index
    %get3A_0 = arith.constant 0 : index
    %get3A_1 = vector.load %arg5[%get3A, %get3A_0] : memref<1x128xf32, #tpu.memory_space<vmem>>, vector<1x128xf32>
    %get3A_2 = arith.constant 0 : index
    %get3A_3 = arith.constant 0 : index
    %get3A_4 = vector.load %arg6[%get3A_2, %get3A_3] : memref<128x2xf32, #tpu.memory_space<vmem>>, vector<128x2xf32>
    %dot_general3A = arith.constant dense<0.000000e+00> : vector<1x2xf32>
    %dot_general3A_5 = tpu.matmul %get3A_1, %get3A_4, %dot_general3A {dimension_numbers = #tpu.dot_dimension_numbers<[1], [0], [0], [1], [0, 0, 1, 1], [], []>, transpose_lhs_hint = false} : vector<1x128xf32>, vector<128x2xf32>, vector<1x2xf32> -> vector<1x2xf32>
    %get3A_6 = arith.constant 0 : index
    %get3A_7 = arith.constant 0 : index
    %get3A_8 = vector.load %arg7[%get3A_6, %get3A_7] : memref<1x2xf32, #tpu.memory_space<vmem>>, vector<1x2xf32>
    %add3A = arith.addf %dot_general3A_5, %get3A_8 : vector<1x2xf32>
    %get3A_9 = arith.constant 0 : index
    %get3A_10 = arith.constant 0 : index
    %get3A_11 = vector.load %arg4[%get3A_9, %get3A_10] : memref<2x10240xf32, #tpu.memory_space<vmem>>, vector<1x10000xf32>
    %get3A_12 = arith.constant 0 : index
    %get3A_13 = arith.constant 0 : index
    %get3A_14 = vector.load %arg0[%get3A_12, %get3A_13] : memref<32x10240xf32, #tpu.memory_space<vmem>>, vector<32x10240xf32>
    %reduce_sum3A = arith.constant dense<0.000000e+00> : vector<10240xf32>
    %reduce_sum3A_15 = vector.multi_reduction <add>, %get3A_14, %reduce_sum3A [0] : vector<32x10240xf32> to vector<10240xf32>
    %broadcast_in_dim3A = vector.shape_cast %reduce_sum3A_15 : vector<10240xf32> to vector<1x10240xf32>
    %get3A_16 = arith.constant 0 : index
    %get3A_17 = arith.constant 0 : index
    %get3A_18 = vector.load %arg2[%get3A_16, %get3A_17] : memref<2x10240xf32, #tpu.memory_space<vmem>>, vector<1x10240xf32>
    %add3A_19 = arith.addf %broadcast_in_dim3A, %get3A_18 : vector<1x10240xf32>
    %slice3A = vector.extract_strided_slice %add3A_19 {offsets = [0, 0], sizes = [1, 10000], strides = [1, 1]} : vector<1x10240xf32> to vector<1x10000xf32>
    %get3A_20 = arith.constant 0 : index
    %get3A_21 = arith.constant 0 : index
    %get3A_22 = vector.load %arg1[%get3A_20, %get3A_21] : memref<32x10240xf32, #tpu.memory_space<vmem>>, vector<32x10240xf32>
    %reduce_sum3A_23 = arith.constant dense<0.000000e+00> : vector<10240xf32>
    %reduce_sum3A_24 = vector.multi_reduction <add>, %get3A_22, %reduce_sum3A_23 [0] : vector<32x10240xf32> to vector<10240xf32>
    %broadcast_in_dim3A_25 = vector.shape_cast %reduce_sum3A_24 : vector<10240xf32> to vector<1x10240xf32>
    %get3A_26 = arith.constant 0 : index
    %get3A_27 = arith.constant 0 : index
    %get3A_28 = vector.load %arg3[%get3A_26, %get3A_27] : memref<2x10240xf32, #tpu.memory_space<vmem>>, vector<1x10240xf32>
    %add3A_29 = arith.addf %broadcast_in_dim3A_25, %get3A_28 : vector<1x10240xf32>
    %slice3A_30 = vector.extract_strided_slice %add3A_29 {offsets = [0, 0], sizes = [1, 10000], strides = [1, 1]} : vector<1x10240xf32> to vector<1x10000xf32>
    %mul3A = arith.mulf %get3A_11, %slice3A : vector<1x10000xf32>
    %slice3A_31 = vector.extract_strided_slice %add3A {offsets = [0, 0], sizes = [1, 1], strides = [1, 1]} : vector<1x2xf32> to vector<1x1xf32>
    %add3A_32 = vector.broadcast %slice3A_31 : vector<1x1xf32> to vector<1x10000xf32>
    %add3A_33 = arith.addf %mul3A, %add3A_32 : vector<1x10000xf32>
    %mul3A_34 = arith.mulf %get3A_11, %slice3A_30 : vector<1x10000xf32>
    %slice3A_35 = vector.extract_strided_slice %add3A {offsets = [0, 1], sizes = [1, 1], strides = [1, 1]} : vector<1x2xf32> to vector<1x1xf32>
    %add3A_36 = vector.broadcast %slice3A_35 : vector<1x1xf32> to vector<1x10000xf32>
    %add3A_37 = arith.addf %mul3A_34, %add3A_36 : vector<1x10000xf32>
    %concatenate3A = tpu.concatenate %add3A_33, %add3A_37 in 0 : vector<1x10000xf32>, vector<1x10000xf32> -> vector<2x10000xf32>
    %swap3A = arith.constant 0 : index
    %swap3A_38 = arith.constant 0 : index
    %swap3A_39 = vector.load %arg8[%swap3A, %swap3A_38] : memref<2x10000xf32, #tpu.memory_space<vmem>>, vector<2x10000xf32>
    tpu.vector_store %arg8[%swap3A, %swap3A_38], %concatenate3A {strides = array<i32>} : memref<2x10000xf32, #tpu.memory_space<vmem>>, vector<2x10000xf32>,
    return
  }
}

module attributes {stable_mosaic.version = 14 : i64} {
  func.func @body(%arg0: memref<10000x128xf32, #tpu.memory_space<vmem>>, %arg1: memref<128x128xf32, #tpu.memory_space<vmem>>, %arg2: memref<128x2xf32, #tpu.memory_space<vmem>>, %arg3: memref<2x320000xi32, #tpu.memory_space<vmem>>, %arg4: memref<1x10240xf32, #tpu.memory_space<vmem>>, %arg5: memref<1x10240xf32, #tpu.memory_space<vmem>>, %arg6: memref<320000xi32, #tpu.memory_space<vmem>>, %arg7: memref<320000xi32, #tpu.memory_space<vmem>>) attributes {dimension_semantics = [], scalar_prefetch = 0 : i64, scratch_operands = 0 : i64, tpu.core_type = #tpu.core_type<tc>} {
    %get3A = arith.constant 0 : index
    %get3A_0 = arith.constant 0 : index
    %get3A_1 = vector.load %arg3[%get3A, %get3A_0] : memref<2x320000xi32, #tpu.memory_space<vmem>>, vector<2x320000xi32>
    %slice3A = vector.extract_strided_slice %get3A_1 {offsets = [0, 0], sizes = [1, 320000], strides = [1, 1]} : vector<2x320000xi32> to vector<1x320000xi32>
    %squeeze3A = vector.shape_cast %slice3A : vector<1x320000xi32> to vector<320000xi32>
    %swap3A = arith.constant 0 : index
    %swap3A_2 = vector.load %arg6[%swap3A] : memref<320000xi32, #tpu.memory_space<vmem>>, vector<320000xi32>
    tpu.vector_store %arg6[%swap3A], %squeeze3A {strides = array<i32>} : memref<320000xi32, #tpu.memory_space<vmem>>, vector<320000xi32>,
    %slice3A_3 = vector.extract_strided_slice %get3A_1 {offsets = [1, 0], sizes = [1, 320000], strides = [1, 1]} : vector<2x320000xi32> to vector<1x320000xi32>
    %squeeze3A_4 = vector.shape_cast %slice3A_3 : vector<1x320000xi32> to vector<320000xi32>
    %swap3A_5 = arith.constant 0 : index
    %swap3A_6 = vector.load %arg7[%swap3A_5] : memref<320000xi32, #tpu.memory_space<vmem>>, vector<320000xi32>
    tpu.vector_store %arg7[%swap3A_5], %squeeze3A_4 {strides = array<i32>} : memref<320000xi32, #tpu.memory_space<vmem>>, vector<320000xi32>,
    %get3A_7 = arith.constant 0 : index
    %get3A_8 = arith.constant 0 : index
    %get3A_9 = vector.load %arg1[%get3A_7, %get3A_8] : memref<128x128xf32, #tpu.memory_space<vmem>>, vector<128x128xf32>
    %get3A_10 = arith.constant 0 : index
    %get3A_11 = arith.constant 0 : index
    %get3A_12 = vector.load %arg2[%get3A_10, %get3A_11] : memref<128x2xf32, #tpu.memory_space<vmem>>, vector<128x2xf32>
    %dot_general3A = arith.constant dense<0.000000e+00> : vector<128x2xf32>
    %dot_general3A_13 = tpu.matmul %get3A_9, %get3A_12, %dot_general3A {dimension_numbers = #tpu.dot_dimension_numbers<[1], [0], [0], [1], [0, 0, 1, 1], [], []>, transpose_lhs_hint = false} : vector<128x128xf32>, vector<128x2xf32>, vector<128x2xf32> -> vector<128x2xf32>
    %get3A_14 = arith.constant 0 : index
    %get3A_15 = arith.constant 0 : index
    %get3A_16 = vector.load %arg0[%get3A_14, %get3A_15] : memref<10000x128xf32, #tpu.memory_space<vmem>>, vector<10000x128xf32>
    %dot_general3A_17 = arith.constant dense<0.000000e+00> : vector<2x10000xf32>
    %dot_general3A_18 = tpu.matmul %dot_general3A_13, %get3A_16, %dot_general3A_17 {dimension_numbers = #tpu.dot_dimension_numbers<[0], [1], [1], [0], [0, 1, 1, 0], [], []>, transpose_lhs_hint = false} : vector<128x2xf32>, vector<10000x128xf32>, vector<2x10000xf32> -> vector<2x10000xf32>
    %broadcast_in_dim3A = arith.constant 0.000000e+00 : f32
    %broadcast_in_dim3A_19 = vector.broadcast %broadcast_in_dim3A : f32 to vector<1x240xf32>
    %slice3A_20 = vector.extract_strided_slice %dot_general3A_18 {offsets = [0, 0], sizes = [1, 10000], strides = [1, 1]} : vector<2x10000xf32> to vector<1x10000xf32>
    %concatenate3A = tpu.concatenate %slice3A_20, %broadcast_in_dim3A_19 in 1 : vector<1x10000xf32>, vector<1x240xf32> -> vector<1x10240xf32>
    %swap3A_21 = arith.constant 0 : index
    %swap3A_22 = arith.constant 0 : index
    %swap3A_23 = vector.load %arg4[%swap3A_21, %swap3A_22] : memref<1x10240xf32, #tpu.memory_space<vmem>>, vector<1x10240xf32>
    tpu.vector_store %arg4[%swap3A_21, %swap3A_22], %concatenate3A {strides = array<i32>} : memref<1x10240xf32, #tpu.memory_space<vmem>>, vector<1x10240xf32>,
    %slice3A_24 = vector.extract_strided_slice %dot_general3A_18 {offsets = [1, 0], sizes = [1, 10000], strides = [1, 1]} : vector<2x10000xf32> to vector<1x10000xf32>
    %concatenate3A_25 = tpu.concatenate %slice3A_24, %broadcast_in_dim3A_19 in 1 : vector<1x10000xf32>, vector<1x240xf32> -> vector<1x10240xf32>
    %swap3A_26 = arith.constant 0 : index
    %swap3A_27 = arith.constant 0 : index
    %swap3A_28 = vector.load %arg5[%swap3A_26, %swap3A_27] : memref<1x10240xf32, #tpu.memory_space<vmem>>, vector<1x10240xf32>
    tpu.vector_store %arg5[%swap3A_26, %swap3A_27], %concatenate3A_25 {strides = array<i32>} : memref<1x10240xf32, #tpu.memory_space<vmem>>, vector<1x10240xf32>,
    return
  }
}

</mosaic_0001>

<sc_bundles>
// kernel: kernel.5.cloned.1.call-start
scs
__scs_entry_jumppad:
0x0: {  	(pc) =	sbr.rel $0x88, $3  }
0x1: {  	(tag) =	ssettag $0x0;
	lr =	simm.s32 $0x1  }
0x2: {  	[smem:$0x3F9B] =	sst lr;
	_ =	strace $0xD0000000  }
0x3: {  	_ = 	snop  }
0x4: {  	_ = 	snop  }
0x5: {  	_ = 	snop  }
0x6: {  	_ = 	snop  }
0x7: {  	_ = 	snop  }
__scs_overlays_trampoline_lowered:
0x8: {  	[smem:$0x3FAA] =	sst s0  }
0x9: {  	[smem:$0x3FAB] =	sst s1  }
0xa: {  	[smem:$0x3FAC] =	sst s2  }
0xb: {  	[smem:$0x3FAD] =	sst s3  }
0xc: {  	[smem:$0x3FAE] =	sst s4  }
0xd: {  	[smem:$0x3FAF] =	sst s5  }
0xe: {  	[smem:$0x3FB0] =	sst s6  }
0xf: {  	[smem:$0x3FB1] =	sst s7  }
0x10: {  	[smem:$0x3FB2] =	sst s8  }
0x11: {  	[smem:$0x3FB3] =	sst s9;
	s0 =	simm.s32 @!p0 $0x0  }
0x12: {  	s1 =	sld [smem:$0x3F99];
	s0 =	simm.s32 @p0 $0x1  }
0x13: {  	[smem:$0x3FB4] =	sst s0;
	s0 =	simm.s32 @!p1 $0x0  }
0x14: {  	s2 =	sld [smem:$0x3F98];
	s0 =	simm.s32 @p1 $0x1  }
0x15: {  	[smem:$0x3FB5] =	sst s0;
	s0 =	simm.s32 @!p2 $0x0  }
0x16: {  	s3 =	sld [smem:$0x3FDB];
	s0 =	simm.s32 @p2 $0x1  }
0x17: {  	s4 =	simm.s32 $0x1BF5;
	[smem:$0x3FB7] =	sst s0  }
0x18: {  	s0 =	sld [smem:$0x3F9A];
	_ =	swait.ge [sflag:s4], $0x0  }
0x19: {  	s7 =	sld [smem:$0x3F9B]  }
0x1a: {  	s8 =	sadd.s32 $0xFFFFE003, lr  }
0x1b: {  	s9 =	sadd.s32 $0xFFFFFEF7, lr;
	s5 =	simm.s32 $0xFFFFFFFF;
	p2 =	slt.u32 s8, $0xFFFFF086  }
0x1c: {  	p1 =	slt.u32 s9, $0xF7A;
	s5 =	simm.s32 @!p2 $0x0  }
0x1d: {  	s5 =	simm.s32 @p1 $0x1;
	p0 =	seq.s32 s7, s2  }
0x1e: {  	s7 =	smul.u32 @!p0 $0xF7A, s2;
	p2 =	seq.s32 @!p0 s5, $0x0  }
0x1f: {  	s9 =	smul.u32 $0xF7A, s1;
	s8 =	simm.s32 @!p0 $0x1BF5;
	p2 =	por !p2, p0  }
0x20: {  	[sflag:s8] =	ssyncset.s32 @!p0 $0xFFFFF086;
	s6 =	sadd.s32 @!p0 s3, s7;
	s7 =	simm.s32 @!p0 $0x108  }
0x21: {  	s3 =	sadd.s32 s3, s9;
	s6 =	sadd.s32 @!p0 $0x88, s6;
	s7 =	simm.s32 @p2 $0x1082  }
0x22: {  	[simem:s7], [sflag:s8] =	dma.local @!p0 [hbm:s6], $0xF7A  }
0x23: {  	s9 =	sor.u32 $0xD0000000, s2;
	s6 =	simm.s32 $0x108;
	_ =	swait.ge @!p0 [sflag:s8], $0x0  }
0x24: {  	s3 =	sadd.s32 $0x88, s3;
	s6 =	simm.s32 @!p1 $0x1082;
	[sflag:s4] =	ssyncset.s32 $0xFFFFF086  }
0x25: {  	[simem:s6], [sflag:s4] =	dma.local [hbm:s3], $0xF7A  }
0x26: {  	[smem:$0x3F9B] =	sst s1;
	(tag) =	ssettag s2;
	_ =	strace s9  }
0x27: {  	s1 =	sld [smem:$0x3FAB]  }
0x28: {  	s2 =	sld [smem:$0x3FAC]  }
0x29: {  	s4 =	sld [smem:$0x3FAE]  }
0x2a: {  	p0 =	seq.s32 s5, $0x0;
	s5 =	sld [smem:$0x3FAF]  }
0x2b: {  	s6 =	sld [smem:$0x3FB0]  }
0x2c: {  	s7 =	sld [smem:$0x3FB1]  }
0x2d: {  	s3 =	simm.s32 $0x108;
	s8 =	sld [smem:$0x3FB2]  }
0x2e: {  	s3 =	simm.s32 @!p0 $0x1082;
	s9 =	sld [smem:$0x3FB3]  }
0x2f: {  	lr =	sadd.s32 s0, s3;
	s0 =	sld [smem:$0x3FAA]  }
0x30: {  	s3 =	sld [smem:$0x3FAD]  }
0x31: {  	[smem:$0x3FB6] =	sst s10  }
0x32: {  	s10 =	sld [smem:$0x3FB4];
	_ =	sdelay $0x3  }
0x33: {  	p0 =	seq.s32 s10, $0x1;
	s10 =	sld [smem:$0x3FB6];
	_ =	sdelay $0x3  }
0x34: {  	[smem:$0x3FB6] =	sst s10  }
0x35: {  	s10 =	sld [smem:$0x3FB5];
	_ =	sdelay $0x3  }
0x36: {  	p1 =	seq.s32 s10, $0x1;
	s10 =	sld [smem:$0x3FB6];
	_ =	sdelay $0x3  }
0x37: {  	[smem:$0x3FB6] =	sst s10  }
0x38: {  	s10 =	sld [smem:$0x3FB7]  }
0x39: {  	_ = 	snop;
	(pc) =	sbr.ind lr, $3  }
0x3a: {  	_ = 	snop  }
0x3b: {  	_ = 	snop  }
0x3c: {  	p2 =	seq.s32 s10, $0x1;
	s10 =	sld [smem:$0x3FB6]  }
0x3d: {  	_ =	shalt  }
0x3e: {  	_ =	shalt  }
0x3f: {  	_ =	shalt  }
0x40: {  	_ =	shalt  }
0x41: {  	_ =	shalt  }
0x42: {  	_ =	shalt  }
0x43: {  	_ =	shalt  }
0x44: {  	_ =	shalt  }
0x45: {  	_ =	shalt  }
0x46: {  	_ =	shalt  }
0x47: {  	_ =	shalt  }
0x48: {  	_ =	shalt  }
0x49: {  	_ =	shalt  }
0x4a: {  	_ =	shalt  }
0x4b: {  	_ =	shalt  }
0x4c: {  	_ =	shalt  }
0x4d: {  	_ =	shalt  }
0x4e: {  	_ =	shalt  }
0x4f: {  	_ =	shalt  }
0x50: {  	_ =	shalt  }
0x51: {  	_ =	shalt  }
0x52: {  	_ =	shalt  }
0x53: {  	_ =	shalt  }
0x54: {  	_ =	shalt  }
0x55: {  	_ =	shalt  }
0x56: {  	_ =	shalt  }
0x57: {  	_ =	shalt  }
0x58: {  	_ =	shalt  }
0x59: {  	_ =	shalt  }
0x5a: {  	_ =	shalt  }
0x5b: {  	_ =	shalt  }
0x5c: {  	_ =	shalt  }
0x5d: {  	_ =	shalt  }
0x5e: {  	_ =	shalt  }
0x5f: {  	_ =	shalt  }
0x60: {  	_ =	shalt  }
0x61: {  	_ =	shalt  }
0x62: {  	_ =	shalt  }
0x63: {  	_ =	shalt  }
0x64: {  	_ =	shalt  }
0x65: {  	_ =	shalt  }
0x66: {  	_ =	shalt  }
0x67: {  	_ =	shalt  }
0x68: {  	_ =	shalt  }
0x69: {  	_ =	shalt  }
0x6a: {  	_ =	shalt  }
0x6b: {  	_ =	shalt  }
0x6c: {  	_ =	shalt  }
0x6d: {  	_ =	shalt  }
0x6e: {  	_ =	shalt  }
0x6f: {  	_ =	shalt  }
0x70: {  	_ =	shalt  }
0x71: {  	_ =	shalt  }
0x72: {  	_ =	shalt  }
0x73: {  	_ =	shalt  }
0x74: {  	_ =	shalt  }
0x75: {  	_ =	shalt  }
0x76: {  	_ =	shalt  }
0x77: {  	_ =	shalt  }
0x78: {  	_ =	shalt  }
0x79: {  	_ =	shalt  }
0x7a: {  	_ =	shalt  }
0x7b: {  	_ =	shalt  }
0x7c: {  	_ =	shalt  }
0x7d: {  	_ =	shalt  }
0x7e: {  	_ =	shalt  }
0x7f: {  	_ =	shalt  }
0x80: {  	_ =	shalt  }
0x81: {  	_ =	shalt  }
0x82: {  	_ =	shalt  }
0x83: {  	_ =	shalt  }
0x84: {  	_ =	shalt  }
0x85: {  	_ =	shalt  }
0x86: {  	_ =	shalt  }
0x87: {  	_ =	shalt  }
.Lfunc_end0:
.L_simem_size_0:
called_computation_lowered:
.L_overlay_start_0:
0x88: {  	s2 =	sld [smem:$0x3FD9]  }
0x89: {  	s3 =	sld [smem:$0x3FFE];
	_ =	sdelay $0x1  }
0x8a: {  	s1 =	srdreg.scid  }
0x8b: {  	s0 =	sand.u32 $0x1, s1  }
0x8c: {  	s17 =	sshll.u32 s0, $0xA;
	s2 =	sadd.s32 s3, s2  }
0x8d: {  	s2 =	sadd.s32 s2, s17  }
0x8e: {  	[smem:$0x3FC2] =	sst s2  }
0x8f: {  	_ = 	snop  }
0x90: {  	s2 =	sld [smem:$0x3FD0];
	(tm) =	ssettm $0x1  }
0x91: {  	s18 =	sld [smem:$0x3FFB];
	_ =	sdelay $0x3  }
0x92: {  	_ =	strace s18  }
0x93: {  	s3 =	sld [smem:$0x3FFC];
	_ =	sdelay $0x3  }
0x94: {  	_ =	strace s3  }
0x95: {  	s3 =	sld [smem:$0x3FFD];
	_ =	sdelay $0x3  }
0x96: {  	_ =	strace s3  }
0x97: {  	_ =	strace $0x8FFFFFFF  }
0x98: {  	s19 =	sld [smem:$0x3FDB];
	_ =	sdelay $0x1  }
0x99: {  	s4 =	simm.s32 $_scs_section_size  }
0x9a: {  	s5 =	simm.s32 $_size__tile_overlayer_lowered;
	s6 =	simm.s32 $_tile_overlayer_lowered  }
0x9b: {  	s22 =	simm.s32 $0x1BFF;
	s21 =	sshll.u32 s6, $0x1;
	s3 =	sadd.s32 s4, s19  }
0x9c: {  	s7 =	simm.s32 $0x0;
	s20 =	sshll.u32 s5, $0x1;
	s5 =	sadd.s32 s21, s3  }
0x9d: {  	[timem:s7], [sflag:s22] =	dma.local [hbm:s5], s20  }
0x9e: {  	_ =	swait.ge [sflag:s22], s20  }
0x9f: {  	s4 =	ssub.s32 $0x0, s20;
	[sflag:s22] =	ssyncset.done $0x0  }
0xa0: {  	[sflag:s22] =	ssyncadd.s32 s4;
	_ =	sdelay $0x1  }
0xa1: {  	s23 =	simm.s32 $0x1B8B  }
0xa2: {  	_ =	swait.ge [sflag:s23], $0x1  }
0xa3: {  	[sflag:s23] =	ssyncset.done $0x0  }
0xa4: {  	s25 =	simm.s32 $0x1B8E;
	s24 =	sld [smem:$0x3FFE];
	[sflag:s23] =	ssyncadd.s32 $0xFFFFFFFF  }
0xa5: {  	s26 =	simm.s32 $execute0_lowered;
	[smem:$0x3FD2] =	sst s25  }
0xa6: {  	s5 =	sshll.u32 s26, $0x1;
	_ =	strace $0x80000046;
	[dreg:$0x1] =	wrdreg $0xFFFFFFFF  }
0xa7: {  	s28 =	simm.s32 $_size_execute0_lowered;
	s3 =	sadd.s32 s3, s5;
	[dreg:$0x0] =	wrdreg $0x0  }
0xa8: {  	s5 =	sshll.u32 s28, $0x1;
	[dreg:$0x2] =	wrdreg s3  }
0xa9: {  	[dreg:$0x3] =	wrdreg s5  }
0xaa: {  	[dreg:$0x4] =	wrdreg $0xC0  }
0xab: {  	_ =	task [dreg:s7], $0x5FFFF  }
0xac: {  	[dreg:$0x1] =	wrdreg $0xFFFFFFFF  }
0xad: {  	[dreg:$0x0] =	wrdreg $0x60  }
0xae: {  	[dreg:$0x2] =	wrdreg s24  }
0xaf: {  	[dreg:$0x3] =	wrdreg s2  }
0xb0: {  	[dreg:$0x4] =	wrdreg $0x16D800  }
0xb1: {  	[dreg:$0x5] =	wrdreg $0x195800  }
0xb2: {  	[dreg:$0x6] =	wrdreg $0x198000  }
0xb3: {  	[dreg:$0x7] =	wrdreg $0x9  }
0xb4: {  	_ =	task.clear_ibuf [dreg:s7], $0x8FFFF;
	_ =	strace $0x90000046  }
0xb5: {  	s29 =	simm.s32 $0x9;
	_ =	strace $0x80000048  }
0xb6: {  	_ =	swait.ge [sflag:s29], $0x1  }
0xb7: {  	[sflag:s29] =	ssyncadd.s32 $0xFFFFFFFF  }
0xb8: {  	_ =	strace $0x90000048  }
0xb9: {  	_ =	sfence  }
0xba: {  	s30 =	sld [smem:$0x0];
	_ =	sdelay $0x2  }
0xbb: {  	s31 =	sshll.u32 s1, $0xD;
	s1 =	sshrl.u32 s1, $0x2  }
0xbc: {  	s3 =	sand.u32 $0x4000, s31;
	s1 =	sadd.s32 s1, s30  }
0xbd: {  	s0 =	sor.u32 s3, s0;
	s1 =	sshll.u32 s1, $0x11  }
0xbe: {  	s0 =	sor.u32 s1, s0  }
0xbf: {  	s0 =	sadd.s32 $0x8F2B, s0  }
0xc0: {  	[sflag:s0] =	ssyncadd.remote.s32 $0x1  }
0xc1: {  	_ =	sfence.sel $0xFFFF  }
0xc2: {  	[dreg:$0x0] =	wrdreg $0xFFFFFFFF;
	(pc) =	sbr.abs _section_cstart, $3  }
0xc3: {  	[dreg:$0x1] =	wrdreg $0xFFFFFFFF  }
0xc4: {  	_ =	task.clear_ibuf [dreg:s7], $0x2FFFF;
	_ =	strace $0x9FFFFFFF  }
0xc5: {  	(tm) =	ssettm $0x7FFFFFFF  }
tec
execute0_lowered:
.L_overlay_start_1:
0x0: {  	(tag) =	ssettag $0x1  }
0x1: {  	s0 =	rddreg [dreg:$0x0]  }
0x2: {  	s1 =	rddreg [dreg:$0x1]  }
0x3: {  	s2 =	rddreg [dreg:$0x2]  }
0x4: {  	s16 =	rddreg [dreg:$0x3];
	s15 =	stileid.u32  }
0x5: {  	s3 =	srdreg.scid;
	s5 =	smul.u32 $0x4E20, s15  }
0x6: {  	s17 =	rddreg [dreg:$0x4];
	s4 =	simm.s32 $0x0;
	s7 =	smul.u32 $0x280, s15  }
0x7: {  	s3 =	sand.u32 $0x1, s3;
	[smem:$0x7FF] =	sst s4;
	s10 =	smul.u32 $0x500, s15  }
0x8: {  	s25 =	sshll.u32 s15, $0x7;
	s13 =	sshrl.u32 s15, $0x3;
	s6 =	smul.u32 $0x2710, s3  }
0x9: {  	_ =	strace $0x80000047;
	s8 =	sshll.u32 s3, $0x4;
	s12 =	sshll.u32 s3, $0x7  }
0xa: {  	s13 =	smul.u32 $0x50000, s13;
	s14 =	ssub.s32 $0x2, s3;
	s9 =	sshrl.u32 s7, $0x3  }
0xb: {  	s8 =	sor.u32 s15, s8;
	s10 =	sor.u32 s12, s10;
	s12 =	sand.u32 $0x380, s25  }
0xc: {  	s15 =	smul.u32 $0x5000, s15;
	s26 =	sshrl.u32 s14, $0x1;
	[dreg:$0x6] =	wrdreg s6  }
0xd: {  	s6 =	sadd.s32 s6, s5;
	s5 =	sshrl.u32 s5, $0x3;
	s11 =	sadd.s32 s9, s0  }
0xe: {  	s8 =	sshrl.u32 s8, $0x3;
	s10 =	sshrl.u32 s10, $0x3;
	s13 =	sshrl.u32 s13, $0x2  }
0xf: {  	s14 =	ssub.s32 s14, s26;
	s1 =	sadd.s32 s1, s9;
	s9 =	simm.s32 $0x1  }
0x10: {  	s6 =	sshrl.u32 s6, $0x3;
	s5 =	sadd.s32 s5, s0;
	s8 =	smul.u32 $0x14000, s8  }
0x11: {  	s10 =	sadd.s32 s10, s0;
	s28 =	sadd.s32 s13, s2;
	s29 =	sshrl.u32 s15, $0x2  }
0x12: {  	[dreg:$0xd] =	wrdreg s1;
	s13 =	sadd.s32 $0x16200, s11;
	s15 =	sadd.s32 s7, s16  }
0x13: {  	s16 =	sadd.s32 s7, s17;
	s17 =	smul.u32 $0x9C40, s3;
	[dreg:$0xe] =	wrdreg s13  }
0x14: {  	s3 =	sshll.u32 s3, $0x6;
	s24 =	smax.u32 s14, $0x1;
	[dreg:$0xf] =	wrdreg s15  }
0x15: {  	s11 =	simm.s32 $0x80;
	s14 =	simm.s32 $0x16B00;
	[dreg:$0x10] =	wrdreg s16  }
0x16: {  	s6 =	sadd.s32 s6, s0;
	s5 =	sadd.s32 $0xC400, s5;
	[dreg:$0x17] =	wrdreg s24  }
0x17: {  	s30 =	sadd.s32 s12, s28;
	s18 =	sadd.s32 $0x2A800, s10;
	[dreg:$0x7] =	wrdreg s5  }
0x18: {  	s19 =	sadd.s32 $0x2B200, s10;
	s20 =	sadd.s32 $0x2BC00, s10;
	[dreg:$0x8] =	wrdreg s30  }
0x19: {  	s10 =	simm.s32 $0x7600;
	s13 =	simm.s32 $0x16880;
	[dreg:$0x11] =	wrdreg s18  }
0x1a: {  	s15 =	simm.s32 $0x100;
	s8 =	sor.u32 s12, s8;
	[dreg:$0x12] =	wrdreg s19  }
0x1b: {  	s16 =	simm.s32 $0xC600;
	[dreg:$0x13] =	wrdreg s20;
	s8 =	sshrl.u32 s8, $0x3  }
0x1c: {  	s21 =	sadd.s32 $0x2600, s6;
	s0 =	sadd.s32 s8, s0;
	s8 =	sadd.s32 s29, s2  }
0x1d: {  	s22 =	sand.u32 $0xFE00, s17;
	[dreg:$0x14] =	wrdreg s21;
	s2 =	sadd.s32 $0x80, s8  }
0x1e: {  	s25 =	sshrl.u32 s17, $0x2;
	s31 =	sadd.s32 $0x100, s8;
	[dreg:$0x9] =	wrdreg s2  }
0x1f: {  	s17 =	simm.s32 $0x11600;
	s5 =	sadd.s32 $0x180, s8;
	[dreg:$0xa] =	wrdreg s31  }
0x20: {  	s18 =	simm.s32 $0x13E00;
	s12 =	sadd.s32 $0x200, s8;
	[dreg:$0xb] =	wrdreg s5  }
0x21: {  	s19 =	simm.s32 $0x0;
	s23 =	sadd.s32 $0x16800, s0;
	[dreg:$0xc] =	wrdreg s12  }
0x22: {  	s25 =	sadd.s32 $0x40, s25;
	s0 =	sadd.s32 $0x20800, s0;
	[dreg:$0x15] =	wrdreg s23  }
0x23: {  	s26 =	sadd.s32 $0x280, s8;
	s28 =	sadd.s32 $0x300, s8;
	[dreg:$0x16] =	wrdreg s0  }
0x24: {  	s29 =	sadd.s32 $0x380, s8;
	s30 =	sadd.s32 $0x14000, s8;
	[dreg:$0x18] =	wrdreg s26  }
0x25: {  	s1 =	sadd.s32 $0x14100, s8;
	s6 =	sadd.s32 $0x14300, s8;
	[dreg:$0x19] =	wrdreg s28  }
0x26: {  	s7 =	sadd.s32 $0x14380, s8;
	s2 =	sor.u32 s3, s22;
	[dreg:$0x1a] =	wrdreg s29  }
0x27: {  	[dreg:$0x1b] =	wrdreg s30;
	s31 =	sadd.s32 $0x14080, s8;
	s0 =	sadd.s32 $0x14180, s8  }
0x28: {  	s3 =	sadd.s32 $0x14280, s8;
	s12 =	simm.s32 $0x400;
	s5 =	simm.s32 $0xEE00  }
0x29: {  	v0 =	vimm.f32 $0.0e+00;
	v1 =	vimm.f32 $1.000000000e+00;
	s24 =	sshrl.u32 s2, $0x2;
	[dreg:$0x1c] =	wrdreg s31;
	s2 =	sadd.s32 $0x14200, s8  }
.LBB2_1:
0x2a: {  	s20 =	simm.s32 $0x7640  }
0x2b: {  	[tilespmem:s20+$0xFFFFFFD0] =	vst v0  }
0x2c: {  	[tilespmem:s20+$0x0] =	vst v0  }
0x2d: {  	[tilespmem:s20+$0xFFFFFFC0] =	vst v0  }
0x2e: {  	[tilespmem:s20+$0x30] =	vst v0  }
0x2f: {  	[tilespmem:s20+$0xFFFFFFF0] =	vst v0  }
0x30: {  	[tilespmem:s20+$0xFFFFFFE0] =	vst v0  }
0x31: {  	[tilespmem:s20+$0x10] =	vst v0  }
0x32: {  	s22 =	simm.s32 $0x11640;
	[tilespmem:s20+$0x20] =	vst v0  }
0x33: {  	[tilespmem:s22+$0xFFFFFFC0] =	vst v0  }
0x34: {  	[tilespmem:s22+$0x30] =	vst v0  }
0x35: {  	[tilespmem:s22+$0x0] =	vst v0  }
0x36: {  	[tilespmem:s22+$0x20] =	vst v0  }
0x37: {  	[tilespmem:s22+$0x10] =	vst v0  }
0x38: {  	[tilespmem:s22+$0xFFFFFFD0] =	vst v0  }
0x39: {  	[tilespmem:s22+$0xFFFFFFE0] =	vst v0  }
0x3a: {  	s21 =	simm.s32 $0x13E40;
	[tilespmem:s22+$0xFFFFFFF0] =	vst v0  }
0x3b: {  	[tilespmem:s21+$0xFFFFFFC0] =	vst v0  }
0x3c: {  	[tilespmem:s21+$0x30] =	vst v0  }
0x3d: {  	[tilespmem:s21+$0x20] =	vst v0  }
0x3e: {  	[tilespmem:s21+$0x10] =	vst v0  }
0x3f: {  	s23 =	simm.s32 $0x0;
	s26 =	simm.s32 $0x13EC0;
	[tilespmem:s21+$0xFFFFFFD0] =	vst v0  }
.LBB2_2:
0x40: {  	s23 =	sadd.s32 $0x80, s23;
	[tilespmem:s21+$0xFFFFFFE0] =	vst v0;
	s20 =	sadd.s32 $0x80, s20;
	s22 =	sadd.s32 $0x80, s22  }
0x41: {  	p0 =	slt.u32 s23, $0x2780;
	[tilespmem:s21+$0x0] =	vst v0  }
0x42: {  	[tilespmem:s21+$0xFFFFFFF0] =	vst v0;
	s21 =	smov.u32 s26  }
0x43: {  	[tilespmem:s20+$0xFFFFFFD0] =	vst v0  }
0x44: {  	[tilespmem:s20+$0x0] =	vst v0  }
0x45: {  	[tilespmem:s20+$0xFFFFFFC0] =	vst v0  }
0x46: {  	[tilespmem:s22+$0xFFFFFFC0] =	vst v0  }
0x47: {  	[tilespmem:s26+$0xFFFFFFC0] =	vst v0  }
0x48: {  	[tilespmem:s20+$0x30] =	vst v0  }
0x49: {  	[tilespmem:s22+$0x30] =	vst v0  }
0x4a: {  	[tilespmem:s26+$0x30] =	vst v0  }
0x4b: {  	[tilespmem:s22+$0x0] =	vst v0  }
0x4c: {  	[tilespmem:s20+$0xFFFFFFF0] =	vst v0  }
0x4d: {  	[tilespmem:s20+$0xFFFFFFE0] =	vst v0  }
0x4e: {  	[tilespmem:s20+$0x10] =	vst v0  }
0x4f: {  	[tilespmem:s20+$0x20] =	vst v0  }
0x50: {  	[tilespmem:s22+$0x20] =	vst v0  }
0x51: {  	[tilespmem:s26+$0x20] =	vst v0  }
0x52: {  	[tilespmem:s22+$0x10] =	vst v0  }
.Ltmp0:
0x53: {  	[tilespmem:s26+$0x10] =	vst v0;
	(pc) =	sbr.rel @p0 .LBB2_2-.Ltmp0, $4  }
0x54: {  	[tilespmem:s22+$0xFFFFFFD0] =	vst v0  }
0x55: {  	[tilespmem:s22+$0xFFFFFFE0] =	vst v0  }
0x56: {  	[tilespmem:s26+$0xFFFFFFD0] =	vst v0  }
0x57: {  	s26 =	sadd.s32 $0x80, s26;
	[tilespmem:s22+$0xFFFFFFF0] =	vst v0  }
0x58: {  	[tilespmem:s21+$0xFFFFFFE0] =	vst v0  }
0x59: {  	[tilespmem:s21+$0x0] =	vst v0  }
0x5a: {  	[tilespmem:s21+$0xFFFFFFF0] =	vst v0  }
0x5b: {  	s20 =	rddreg [dreg:$0x7]  }
0x5c: {  	[tilespmem:s4], [sflag:$0x1] =	stream.linear.gather [hbm4b:s20+s4], $0x4E20, $0x38;
	[tilespmem:$0x19A80] =	vst v63  }
0x5d: {  	_ =	swait.ge [sflag:s9], $0x4E20  }
0x5e: {  	[sflag:s9] =	ssyncset.done $0x0  }
0x5f: {  	s20 =	simm.s32 $0x40;
	[sflag:s9] =	ssyncadd.s32 $0xFFFFB1E0  }
0x60: {  	v3 =	vld [tilespmem:s20+$0xFFFFFFC0]  }
0x61: {  	v4 =	vld [tilespmem:s20+$0x30]  }
0x62: {  	v5 =	vld [tilespmem:s20+$0x20]  }
0x63: {  	v6 =	vld [tilespmem:s20+$0x10]  }
0x64: {  	v7 =	vld [tilespmem:s20+$0x0]  }
0x65: {  	v8 =	vld [tilespmem:s20+$0xFFFFFFF0]  }
0x66: {  	v9 =	vld [tilespmem:s20+$0xFFFFFFE0]  }
0x67: {  	v2 =	vld [tilespmem:s20+$0xFFFFFFD0]  }
0x68: {  	[tilespmem:v3+s10+$0x0] =	vst.idx.add.f32.msk $0xffff, v1  }
0x69: {  	[tilespmem:v4+s10+$0x0] =	vst.idx.add.f32.msk $0xffff, v1  }
0x6a: {  	[tilespmem:v5+s10+$0x0] =	vst.idx.add.f32.msk $0xffff, v1  }
0x6b: {  	[tilespmem:v6+s10+$0x0] =	vst.idx.add.f32.msk $0xffff, v1  }
0x6c: {  	[tilespmem:v7+s10+$0x0] =	vst.idx.add.f32.msk $0xffff, v1  }
0x6d: {  	[tilespmem:v8+s10+$0x0] =	vst.idx.add.f32.msk $0xffff, v1  }
0x6e: {  	s23 =	simm.s32 $0x0;
	s21 =	simm.s32 $0x4E00;
	[tilespmem:v9+s10+$0x0] =	vst.idx.add.f32.msk $0xffff, v1  }
.LBB2_4:
0x6f: {  	s23 =	sadd.s32 $0x80, s23;
	[tilespmem:v2+s10+$0x0] =	vst.idx.add.f32.msk $0xffff, v1;
	s20 =	sadd.s32 $0x80, s20;
	s22 =	simm.s32 $0x4DF0  }
0x70: {  	v3 =	vld [tilespmem:s20+$0xFFFFFFC0];
	p0 =	slt.u32 s23, $0x4D80  }
0x71: {  	v4 =	vld [tilespmem:s20+$0x30]  }
0x72: {  	v5 =	vld [tilespmem:s20+$0x20]  }
0x73: {  	v6 =	vld [tilespmem:s20+$0x10]  }
0x74: {  	v7 =	vld [tilespmem:s20+$0x0]  }
0x75: {  	v8 =	vld [tilespmem:s20+$0xFFFFFFF0]  }
0x76: {  	v9 =	vld [tilespmem:s20+$0xFFFFFFE0]  }
0x77: {  	v2 =	vld [tilespmem:s20+$0xFFFFFFD0]  }
0x78: {  	[tilespmem:v3+s10+$0x0] =	vst.idx.add.f32.msk $0xffff, v1  }
0x79: {  	[tilespmem:v4+s10+$0x0] =	vst.idx.add.f32.msk $0xffff, v1  }
.Ltmp1:
0x7a: {  	[tilespmem:v5+s10+$0x0] =	vst.idx.add.f32.msk $0xffff, v1;
	(pc) =	sbr.rel @p0 .LBB2_4-.Ltmp1, $4  }
0x7b: {  	[tilespmem:v6+s10+$0x0] =	vst.idx.add.f32.msk $0xffff, v1  }
0x7c: {  	[tilespmem:v7+s10+$0x0] =	vst.idx.add.f32.msk $0xffff, v1  }
0x7d: {  	[tilespmem:v8+s10+$0x0] =	vst.idx.add.f32.msk $0xffff, v1  }
0x7e: {  	[tilespmem:v9+s10+$0x0] =	vst.idx.add.f32.msk $0xffff, v1  }
0x7f: {  	_ =	sdelay $0x3  }
0x80: {  	[tilespmem:v2+s10+$0x0] =	vst.idx.add.f32.msk $0xffff, v1  }
.LBB2_6:
0x81: {  	v2 =	vld [tilespmem:s21+$0x0];
	_ =	sdelay $0x1  }
0x82: {  	s22 =	sadd.s32 $0x10, s22  }
0x83: {  	p0 =	slt.u32 s22, $0x4E10  }
.Ltmp2:
0x84: {  	_ = 	snop;
	(pc) =	sbr.rel @p0 .LBB2_6-.Ltmp2, $2  }
0x85: {  	_ =	sdelay $0x2  }
0x86: {  	s21 =	sadd.s32 $0x10, s21;
	[tilespmem:v2+s10+$0x0] =	vst.idx.add.f32.msk $0xffff, v1  }
0x87: {  	s20 =	rddreg [dreg:$0x8]  }
0x88: {  	[spmem:s20] =	stream.strided.scatter [tilespmem:s10], [sflag:$0x1], $0x2800, s12, s11, $0x38;
	[tilespmem:$0x19A80] =	vst v63  }
0x89: {  	_ =	swait.ge [sflag:s9], $0x2800  }
0x8a: {  	[sflag:s9] =	ssyncset.done $0x0  }
0x8b: {  	[sflag:s9] =	ssyncadd.s32 $0xFFFFD800  }
0x8c: {  	s26 =	simm.s32 $0x9E00;
	[bflag:$0x0] =	sbarrier.arrive $0xFFFF  }
0x8d: {  	[tilespmem:s26], [sflag:$0x1] =	stream.strided.gather [spmem:s8], $0x280, s12, s11, $0x38;
	[tilespmem:$0x19A80] =	vst v63  }
0x8e: {  	_ =	swait.ge [sflag:s9], $0x280  }
0x8f: {  	[sflag:s9] =	ssyncset.done $0x0  }
0x90: {  	s21 =	simm.s32 $0xA080;
	s31 =	rddreg [dreg:$0x9];
	[sflag:s9] =	ssyncadd.s32 $0xFFFFFD80  }
0x91: {  	[tilespmem:s21], [sflag:$0x1] =	stream.strided.gather [spmem:s31], $0x280, s12, s11, $0x38;
	[tilespmem:$0x19A80] =	vst v63  }
0x92: {  	_ =	swait.ge [sflag:s9], $0x280  }
0x93: {  	[sflag:s9] =	ssyncset.done $0x0  }
0x94: {  	s23 =	simm.s32 $0xA300;
	s22 =	rddreg [dreg:$0xa];
	[sflag:s9] =	ssyncadd.s32 $0xFFFFFD80  }
0x95: {  	[tilespmem:s23], [sflag:$0x1] =	stream.strided.gather [spmem:s22], $0x280, s12, s11, $0x38;
	[tilespmem:$0x19A80] =	vst v63  }
0x96: {  	_ =	swait.ge [sflag:s9], $0x280  }
0x97: {  	[sflag:s9] =	ssyncset.done $0x0  }
0x98: {  	s31 =	simm.s32 $0xA580;
	s26 =	rddreg [dreg:$0xb];
	[sflag:s9] =	ssyncadd.s32 $0xFFFFFD80  }
0x99: {  	[tilespmem:s31], [sflag:$0x1] =	stream.strided.gather [spmem:s26], $0x280, s12, s11, $0x38;
	[tilespmem:$0x19A80] =	vst v63  }
0x9a: {  	_ =	swait.ge [sflag:s9], $0x280  }
0x9b: {  	[sflag:s9] =	ssyncset.done $0x0  }
0x9c: {  	s23 =	simm.s32 $0xA800;
	s22 =	rddreg [dreg:$0xc];
	[sflag:s9] =	ssyncadd.s32 $0xFFFFFD80  }
0x9d: {  	[tilespmem:s23], [sflag:$0x1] =	stream.strided.gather [spmem:s22], $0x280, s12, s11, $0x38;
	[tilespmem:$0x19A80] =	vst v63  }
0x9e: {  	_ =	swait.ge [sflag:s9], $0x280  }
0x9f: {  	[sflag:s9] =	ssyncset.done $0x0  }
0xa0: {  	s31 =	simm.s32 $0xAA80;
	s26 =	rddreg [dreg:$0x18];
	[sflag:s9] =	ssyncadd.s32 $0xFFFFFD80  }
0xa1: {  	[tilespmem:s31], [sflag:$0x1] =	stream.strided.gather [spmem:s26], $0x280, s12, s11, $0x38;
	[tilespmem:$0x19A80] =	vst v63  }
0xa2: {  	_ =	swait.ge [sflag:s9], $0x280  }
0xa3: {  	[sflag:s9] =	ssyncset.done $0x0  }
0xa4: {  	s23 =	simm.s32 $0xAD00;
	s22 =	rddreg [dreg:$0x19];
	[sflag:s9] =	ssyncadd.s32 $0xFFFFFD80  }
0xa5: {  	[tilespmem:s23], [sflag:$0x1] =	stream.strided.gather [spmem:s22], $0x280, s12, s11, $0x38;
	[tilespmem:$0x19A80] =	vst v63  }
0xa6: {  	_ =	swait.ge [sflag:s9], $0x280  }
0xa7: {  	[sflag:s9] =	ssyncset.done $0x0  }
0xa8: {  	s31 =	simm.s32 $0xAF80;
	s26 =	rddreg [dreg:$0x1a];
	[sflag:s9] =	ssyncadd.s32 $0xFFFFFD80  }
0xa9: {  	[tilespmem:s31], [sflag:$0x1] =	stream.strided.gather [spmem:s26], $0x280, s12, s11, $0x38;
	[tilespmem:$0x19A80] =	vst v63  }
0xaa: {  	_ =	swait.ge [sflag:s9], $0x280  }
0xab: {  	[sflag:s9] =	ssyncset.done $0x0  }
0xac: {  	s23 =	simm.s32 $0xB200;
	s22 =	rddreg [dreg:$0x1b];
	[sflag:s9] =	ssyncadd.s32 $0xFFFFFD80  }
0xad: {  	[tilespmem:s23], [sflag:$0x1] =	stream.strided.gather [spmem:s22], $0x280, s12, s11, $0x38;
	[tilespmem:$0x19A80] =	vst v63  }
0xae: {  	_ =	swait.ge [sflag:s9], $0x280  }
0xaf: {  	[sflag:s9] =	ssyncset.done $0x0  }
0xb0: {  	s31 =	simm.s32 $0xB480;
	s26 =	rddreg [dreg:$0x1c];
	[sflag:s9] =	ssyncadd.s32 $0xFFFFFD80  }
0xb1: {  	[tilespmem:s31], [sflag:$0x1] =	stream.strided.gather [spmem:s26], $0x280, s12, s11, $0x38;
	[tilespmem:$0x19A80] =	vst v63  }
0xb2: {  	_ =	swait.ge [sflag:s9], $0x280  }
0xb3: {  	[sflag:s9] =	ssyncset.done $0x0  }
0xb4: {  	s21 =	simm.s32 $0xB700;
	[sflag:s9] =	ssyncadd.s32 $0xFFFFFD80  }
0xb5: {  	[tilespmem:s21], [sflag:$0x1] =	stream.strided.gather [spmem:s1], $0x280, s12, s11, $0x38;
	[tilespmem:$0x19A80] =	vst v63  }
0xb6: {  	_ =	swait.ge [sflag:s9], $0x280  }
0xb7: {  	[sflag:s9] =	ssyncset.done $0x0  }
0xb8: {  	s22 =	simm.s32 $0xB980;
	[sflag:s9] =	ssyncadd.s32 $0xFFFFFD80  }
0xb9: {  	[tilespmem:s22], [sflag:$0x1] =	stream.strided.gather [spmem:s0], $0x280, s12, s11, $0x38;
	[tilespmem:$0x19A80] =	vst v63  }
0xba: {  	_ =	swait.ge [sflag:s9], $0x280  }
0xbb: {  	[sflag:s9] =	ssyncset.done $0x0  }
0xbc: {  	s23 =	simm.s32 $0xBC00;
	[sflag:s9] =	ssyncadd.s32 $0xFFFFFD80  }
0xbd: {  	[tilespmem:s23], [sflag:$0x1] =	stream.strided.gather [spmem:s2], $0x280, s12, s11, $0x38;
	[tilespmem:$0x19A80] =	vst v63  }
0xbe: {  	_ =	swait.ge [sflag:s9], $0x280  }
0xbf: {  	[sflag:s9] =	ssyncset.done $0x0  }
0xc0: {  	s26 =	simm.s32 $0xBE80;
	[sflag:s9] =	ssyncadd.s32 $0xFFFFFD80  }
0xc1: {  	[tilespmem:s26], [sflag:$0x1] =	stream.strided.gather [spmem:s3], $0x280, s12, s11, $0x38;
	[tilespmem:$0x19A80] =	vst v63  }
0xc2: {  	_ =	swait.ge [sflag:s9], $0x280  }
0xc3: {  	[sflag:s9] =	ssyncset.done $0x0  }
0xc4: {  	s31 =	simm.s32 $0xC100;
	[sflag:s9] =	ssyncadd.s32 $0xFFFFFD80  }
0xc5: {  	[tilespmem:s31], [sflag:$0x1] =	stream.strided.gather [spmem:s6], $0x280, s12, s11, $0x38;
	[tilespmem:$0x19A80] =	vst v63  }
0xc6: {  	_ =	swait.ge [sflag:s9], $0x280  }
0xc7: {  	[sflag:s9] =	ssyncset.done $0x0  }
0xc8: {  	s21 =	simm.s32 $0xC380;
	[sflag:s9] =	ssyncadd.s32 $0xFFFFFD80  }
0xc9: {  	[tilespmem:s21], [sflag:$0x1] =	stream.strided.gather [spmem:s7], $0x280, s12, s11, $0x38;
	[tilespmem:$0x19A80] =	vst v63  }
0xca: {  	_ =	swait.ge [sflag:s9], $0x280  }
0xcb: {  	[sflag:s9] =	ssyncset.done $0x0  }
0xcc: {  	s22 =	rddreg [dreg:$0xd];
	[sflag:s9] =	ssyncadd.s32 $0xFFFFFD80  }
0xcd: {  	[tilespmem:s13], [sflag:$0x1] =	stream.linear.gather [hbm4b:s22+s4], $0x280, $0x38;
	[tilespmem:$0x19A80] =	vst v63  }
0xce: {  	_ =	swait.ge [sflag:s9], $0x280  }
0xcf: {  	[sflag:s9] =	ssyncset.done $0x0  }
0xd0: {  	s23 =	rddreg [dreg:$0xe];
	[sflag:s9] =	ssyncadd.s32 $0xFFFFFD80  }
0xd1: {  	[tilespmem:s14], [sflag:$0x1] =	stream.linear.gather [hbm4b:s23+s4], $0x280, $0x38;
	[tilespmem:$0x19A80] =	vst v63  }
0xd2: {  	_ =	swait.ge [sflag:s9], $0x280  }
0xd3: {  	[sflag:s9] =	ssyncset.done $0x0  }
0xd4: {  	s20 =	simm.s32 $0xB210;
	s26 =	simm.s32 $0x0;
	[sflag:s9] =	ssyncadd.s32 $0xFFFFFD80  }
0xd5: {  	s21 =	sand.u32 $0x3C0, s26;
	v2 =	vld [tilespmem:s20+$0xFFFFEBF0]  }
0xd6: {  	v3 =	vld [tilespmem:s21+$0xA080]  }
0xd7: {  	v4 =	vld [tilespmem:s21+$0xA300]  }
0xd8: {  	v5 =	vld [tilespmem:s21+$0xA580]  }
0xd9: {  	v7 =	vld [tilespmem:s20+$0xFFFFEC00]  }
0xda: {  	v8 =	vld [tilespmem:s20+$0xFFFFEE80]  }
0xdb: {  	v9 =	vld [tilespmem:s20+$0xFFFFEC10]  }
0xdc: {  	v10 =	vld [tilespmem:s20+$0xFFFFEE90]  }
0xdd: {  	v11 =	vld [tilespmem:s20+$0xFFFFEC20]  }
0xde: {  	v12 =	vld [tilespmem:s20+$0xFFFFEEA0]  }
0xdf: {  	v13 =	vld [tilespmem:s20+$0xFFFFF100]  }
0xe0: {  	v14 =	vld [tilespmem:s20+$0xFFFFF110]  }
0xe1: {  	v15 =	vld [tilespmem:s20+$0xFFFFF120]  }
0xe2: {  	v16 =	vld [tilespmem:s20+$0xFFFFF380]  }
0xe3: {  	v17 =	vld [tilespmem:s20+$0xFFFFF390]  }
0xe4: {  	v18 =	vld [tilespmem:s20+$0xFFFFF600]  }
0xe5: {  	v19 =	vld [tilespmem:s20+$0xFFFFF620]  }
0xe6: {  	v20 =	vld [tilespmem:s20+$0xFFFFF880]  }
0xe7: {  	v21 =	vld [tilespmem:s20+$0xFFFFF890]  }
0xe8: {  	v22 =	vld [tilespmem:s20+$0xFFFFF8A0]  }
0xe9: {  	v23 =	vld [tilespmem:s20+$0xFFFFFB00]  }
0xea: {  	v24 =	vld [tilespmem:s20+$0xFFFFFB10]  }
0xeb: {  	v25 =	vld [tilespmem:s20+$0xFFFFFB20]  }
0xec: {  	v26 =	vld [tilespmem:s20+$0xFFFFFD80]  }
0xed: {  	v27 =	vld [tilespmem:s20+$0xFFFFFD90]  }
0xee: {  	v28 =	vld [tilespmem:s20+$0xFFFFFDA0]  }
0xef: {  	v29 =	vld [tilespmem:s20+$0x0]  }
0xf0: {  	v30 =	vld [tilespmem:s20+$0x10]  }
0xf1: {  	v31 =	vld [tilespmem:s20+$0x20]  }
0xf2: {  	v32 =	vld [tilespmem:s20+$0x280]  }
0xf3: {  	v33 =	vld [tilespmem:s20+$0x290]  }
0xf4: {  	v34 =	vld [tilespmem:s20+$0x2A0]  }
0xf5: {  	v35 =	vld [tilespmem:s20+$0x500]  }
0xf6: {  	v36 =	vld [tilespmem:s20+$0x510]  }
0xf7: {  	v37 =	vld [tilespmem:s20+$0x520]  }
0xf8: {  	v38 =	vld [tilespmem:s20+$0x780]  }
0xf9: {  	v39 =	vld [tilespmem:s20+$0x790]  }
0xfa: {  	v40 =	vld [tilespmem:s20+$0x7A0]  }
0xfb: {  	v41 =	vld [tilespmem:s20+$0xA00];
	v2 =	vadd.f32 v3, v2  }
0xfc: {  	v3 =	vld [tilespmem:s21+$0xA800]  }
0xfd: {  	v42 =	vld [tilespmem:s20+$0xA10];
	v2 =	vadd.f32 v4, v2  }
0xfe: {  	v4 =	vld [tilespmem:s21+$0xAA80]  }
0xff: {  	v43 =	vld [tilespmem:s20+$0xA20];
	v2 =	vadd.f32 v5, v2  }
0x100: {  	v5 =	vld [tilespmem:s21+$0xAD00]  }
0x101: {  	v44 =	vld [tilespmem:s20+$0xC80];
	v2 =	vadd.f32 v3, v2  }
0x102: {  	v3 =	vld [tilespmem:s21+$0xAF80]  }
0x103: {  	v45 =	vld [tilespmem:s20+$0xC90];
	v2 =	vadd.f32 v4, v2  }
0x104: {  	v4 =	vld [tilespmem:s21+$0xB200]  }
0x105: {  	v46 =	vld [tilespmem:s20+$0xCA0];
	v2 =	vadd.f32 v5, v2  }
0x106: {  	v5 =	vld [tilespmem:s21+$0xB480]  }
0x107: {  	v47 =	vld [tilespmem:s20+$0xF00];
	v2 =	vadd.f32 v3, v2  }
0x108: {  	v3 =	vld [tilespmem:s21+$0xB700]  }
0x109: {  	v48 =	vld [tilespmem:s20+$0xF20];
	v2 =	vadd.f32 v4, v2  }
0x10a: {  	v4 =	vld [tilespmem:s21+$0xB980]  }
0x10b: {  	v49 =	vld [tilespmem:s20+$0x1180];
	v2 =	vadd.f32 v5, v2  }
0x10c: {  	s23 =	simm.s32 $0xB250;
	v5 =	vld [tilespmem:s21+$0xBC00]  }
0x10d: {  	v50 =	vld [tilespmem:s23+$0xFFFFEBF0];
	v2 =	vadd.f32 v3, v2  }
0x10e: {  	v3 =	vld [tilespmem:s21+$0xBE80]  }
0x10f: {  	v52 =	vld [tilespmem:s20+$0x1190];
	v2 =	vadd.f32 v4, v2  }
0x110: {  	v4 =	vld [tilespmem:s21+$0xC100]  }
0x111: {  	v54 =	vld [tilespmem:s20+$0x11A0];
	v2 =	vadd.f32 v5, v2  }
0x112: {  	v5 =	vld [tilespmem:s21+$0xC380]  }
0x113: {  	v61 =	vld [tilespmem:s23+$0xC90];
	v2 =	vadd.f32 v3, v2  }
0x114: {  	s31 =	simm.s32 $0x40;
	v62 =	vld [tilespmem:s23+$0xF00];
	v8 =	vadd.f32 v8, v7  }
0x115: {  	v7 =	vld [tilespmem:s23+$0xFFFFEC00];
	s21 =	sand.u32 $0x3C0, s31;
	v2 =	vadd.f32 v4, v2  }
0x116: {  	v9 =	vadd.f32 v10, v9;
	v10 =	vadd.f32 v13, v8;
	v51 =	vld [tilespmem:s21+$0xA080]  }
0x117: {  	v8 =	vld [tilespmem:s23+$0xFFFFEE80];
	v2 =	vadd.f32 v5, v2  }
0x118: {  	v11 =	vadd.f32 v12, v11;
	v10 =	vadd.f32 v16, v10;
	v53 =	vld [tilespmem:s21+$0xA300]  }
0x119: {  	v14 =	vadd.f32 v14, v9;
	v9 =	vld [tilespmem:s23+$0xFFFFEC10];
	v2 =	vadd.f32 $1.000000000e+00, v2  }
0x11a: {  	v11 =	vadd.f32 v15, v11;
	v10 =	vadd.f32 v18, v10;
	v55 =	vld [tilespmem:s21+$0xA580]  }
0x11b: {  	v15 =	vld [tilespmem:s23+$0xFFFFEEA0];
	v50 =	vadd.f32 v51, v50;
	v5 =	vshrl.u32 v2, $0x1;
	v2 =	vmul.f32 $5.000000000e-01, v2  }
0x11c: {  	v10 =	vadd.f32 v20, v10;
	v63 =	vld [tilespmem:s21+$0xA800];
	v5 =	vsub.s32 $0x5F3759DF, v5  }
0x11d: {  	v3 =	vld [tilespmem:s20+$0xFFFFF3A0];
	v50 =	vadd.f32 v53, v50;
	v6 =	vmul.f32 v5, v2  }
0x11e: {  	v10 =	vadd.f32 v23, v10;
	v13 =	vld [tilespmem:s21+$0xAA80]  }
0x11f: {  	v4 =	vld [tilespmem:s20+$0xFFFFF610];
	v12 =	vadd.f32 v55, v50;
	v6 =	vmul.f32 v5, v6  }
0x120: {  	v14 =	vadd.f32 v17, v14;
	v10 =	vadd.f32 v26, v10;
	v16 =	vld [tilespmem:s21+$0xAD00]  }
0x121: {  	v18 =	vld [tilespmem:s23+$0xFFFFF110];
	v12 =	vadd.f32 v63, v12;
	v6 =	vsub.f32 $1.500000000e+00, v6  }
0x122: {  	v7 =	vadd.f32 v8, v7;
	v17 =	vld [tilespmem:s21+$0xAF80];
	v3 =	vadd.f32 v3, v11  }
0x123: {  	v20 =	vld [tilespmem:s23+$0xFFFFF390];
	v10 =	vadd.f32 v29, v10;
	v12 =	vadd.f32 v13, v12;
	v5 =	vmul.f32 v5, v6  }
0x124: {  	v4 =	vadd.f32 v4, v14;
	v3 =	vadd.f32 v19, v3;
	v13 =	vld [tilespmem:s21+$0xB200]  }
0x125: {  	v23 =	vld [tilespmem:s23+$0xFFFFF620];
	v10 =	vadd.f32 v32, v10;
	v12 =	vadd.f32 v16, v12;
	v6 =	vmul.f32 v5, v2  }
0x126: {  	v4 =	vadd.f32 v21, v4;
	v3 =	vadd.f32 v22, v3;
	v16 =	vld [tilespmem:s21+$0xB480]  }
0x127: {  	v26 =	vld [tilespmem:s23+$0xFFFFF880];
	v10 =	vadd.f32 v35, v10;
	v12 =	vadd.f32 v17, v12;
	v6 =	vmul.f32 v6, v5  }
0x128: {  	v19 =	vld [tilespmem:s21+$0xB700];
	v4 =	vadd.f32 v24, v4;
	v3 =	vadd.f32 v25, v3  }
0x129: {  	v29 =	vld [tilespmem:s23+$0xFFFFFB10];
	v12 =	vadd.f32 v13, v12;
	v6 =	vsub.f32 $1.500000000e+00, v6  }
0x12a: {  	v4 =	vadd.f32 v27, v4;
	v3 =	vadd.f32 v28, v3;
	v13 =	vld [tilespmem:s21+$0xB980]  }
0x12b: {  	v10 =	vadd.f32 v38, v10;
	v38 =	vld [tilespmem:s23+$0x0];
	v12 =	vadd.f32 v16, v12;
	v5 =	vmul.f32 v6, v5  }
0x12c: {  	v32 =	vld [tilespmem:s21+$0xBC00];
	v4 =	vadd.f32 v30, v4;
	v3 =	vadd.f32 v31, v3  }
0x12d: {  	v10 =	vadd.f32 v41, v10;
	v35 =	vld [tilespmem:s21+$0xBE80];
	v12 =	vadd.f32 v19, v12;
	v2 =	vmul.f32 v5, v2  }
0x12e: {  	v41 =	vld [tilespmem:s21+$0xC380];
	v4 =	vadd.f32 v33, v4;
	v3 =	vadd.f32 v34, v3  }
0x12f: {  	v10 =	vadd.f32 v44, v10;
	v11 =	vld [tilespmem:s23+$0xFFFFEE90];
	v12 =	vadd.f32 v13, v12;
	v2 =	vmul.f32 v2, v5  }
0x130: {  	v4 =	vadd.f32 v36, v4;
	v3 =	vadd.f32 v37, v3;
	v13 =	vld [tilespmem:s21+$0xC100]  }
0x131: {  	v44 =	vld [tilespmem:s23+$0x2A0];
	v12 =	vadd.f32 v32, v12;
	v2 =	vsub.f32 $1.500000000e+00, v2  }
0x132: {  	v14 =	vld [tilespmem:s23+$0xFFFFEC20];
	v4 =	vadd.f32 v39, v4;
	v3 =	vadd.f32 v40, v3  }
0x133: {  	v10 =	vadd.f32 v47, v10;
	v12 =	vadd.f32 v35, v12;
	v5 =	vmul.f32 v2, v5;
	v2 =	vld [tilespmem:s20+$0xF10]  }
0x134: {  	v21 =	vld [tilespmem:s23+$0xFFFFF3A0];
	v4 =	vadd.f32 v42, v4;
	v3 =	vadd.f32 v43, v3  }
0x135: {  	v22 =	vld [tilespmem:s23+$0xFFFFF610];
	v8 =	vadd.f32 v11, v9;
	v12 =	vadd.f32 v13, v12  }
0x136: {  	v63 =	vld [tilespmem:s23+$0xF10];
	v4 =	vadd.f32 v45, v4;
	v3 =	vadd.f32 v46, v3  }
0x137: {  	v24 =	vld [tilespmem:s23+$0xFFFFF600];
	v14 =	vadd.f32 v15, v14;
	v12 =	vadd.f32 v41, v12  }
0x138: {  	s26 =	simm.s32 $0xB290;
	v25 =	vld [tilespmem:s23+$0xFFFFF8A0];
	v3 =	vadd.f32 v48, v3;
	v2 =	vadd.f32 v2, v4  }
0x139: {  	v15 =	vld [tilespmem:s26+$0xFFFFEBF0];
	v4 =	vadd.f32 v49, v10;
	v10 =	vadd.f32 $1.000000000e+00, v12  }
0x13a: {  	v8 =	vadd.f32 v18, v8;
	v27 =	vld [tilespmem:s23+$0xFFFFF890]  }
0x13b: {  	v28 =	vld [tilespmem:s23+$0xFFFFFB20];
	v3 =	vadd.f32 v54, v3;
	v12 =	vshrl.u32 v10, $0x1;
	v10 =	vmul.f32 $5.000000000e-01, v10  }
0x13c: {  	v8 =	vadd.f32 v20, v8;
	v20 =	vld [tilespmem:s26+$0xFFFFEC20];
	v12 =	vsub.s32 $0x5F3759DF, v12  }
0x13d: {  	v30 =	vld [tilespmem:s23+$0xFFFFFB00];
	v3 =	vadd.f32 $1.000000000e+00, v3;
	v47 =	vmul.f32 v12, v10  }
0x13e: {  	v31 =	vld [tilespmem:s23+$0xFFFFFD80];
	v8 =	vadd.f32 v22, v8;
	v2 =	vadd.f32 v52, v2  }
0x13f: {  	v17 =	vld [tilespmem:s23+$0xFFFFF100];
	v49 =	vshrl.u32 v3, $0x1;
	v4 =	vadd.f32 $1.000000000e+00, v4;
	v32 =	vmul.f32 v12, v47  }
0x140: {  	v22 =	vld [tilespmem:s26+$0xFFFFF100];
	v3 =	vmul.f32 $5.000000000e-01, v3;
	v35 =	vsub.s32 $0x5F3759DF, v49;
	v2 =	vadd.f32 $1.000000000e+00, v2  }
0x141: {  	v34 =	vld [tilespmem:s23+$0xFFFFFD90];
	v13 =	vshrl.u32 v4, $0x1;
	v4 =	vmul.f32 $5.000000000e-01, v4;
	v32 =	vsub.f32 $1.500000000e+00, v32  }
0x142: {  	v16 =	vld [tilespmem:s23+$0xFFFFF120];
	v13 =	vsub.s32 $0x5F3759DF, v13;
	v48 =	vshrl.u32 v2, $0x1;
	v2 =	vmul.f32 $5.000000000e-01, v2  }
0x143: {  	v36 =	vld [tilespmem:s23+$0xFFFFFDA0];
	v50 =	vmul.f32 v13, v4;
	v33 =	vsub.s32 $0x5F3759DF, v48;
	v12 =	vmul.f32 v12, v32  }
0x144: {  	v19 =	vld [tilespmem:s23+$0xFFFFF380];
	v52 =	vmul.f32 v35, v3;
	v51 =	vmul.f32 v33, v2  }
0x145: {  	v40 =	vld [tilespmem:s23+$0x10];
	v37 =	vmul.f32 v13, v50;
	v54 =	vmul.f32 v12, v10  }
0x146: {  	v7 =	vadd.f32 v17, v7;
	v17 =	vld [tilespmem:s26+$0xFFFFEC00];
	v53 =	vmul.f32 v35, v52;
	v39 =	vmul.f32 v33, v51  }
0x147: {  	v42 =	vld [tilespmem:s23+$0x20];
	v16 =	vadd.f32 v16, v14;
	v37 =	vsub.f32 $1.500000000e+00, v37;
	v45 =	vmul.f32 v54, v12  }
0x148: {  	v43 =	vld [tilespmem:s23+$0x280];
	v32 =	vsub.f32 $1.500000000e+00, v53;
	v39 =	vsub.f32 $1.500000000e+00, v39  }
0x149: {  	v7 =	vadd.f32 v19, v7;
	v19 =	vld [tilespmem:s26+$0xFFFFEE80];
	v13 =	vmul.f32 v13, v37;
	v45 =	vsub.f32 $1.500000000e+00, v45  }
0x14a: {  	v16 =	vadd.f32 v21, v16;
	v21 =	vld [tilespmem:s26+$0xFFFFEEA0];
	v32 =	vmul.f32 v35, v32;
	v33 =	vmul.f32 v33, v39  }
0x14b: {  	v41 =	vld [tilespmem:s23+$0x290];
	v55 =	vmul.f32 v13, v4;
	v12 =	vmul.f32 v45, v12  }
0x14c: {  	v49 =	vld [tilespmem:s23+$0xA00];
	v57 =	vmul.f32 v32, v3;
	v56 =	vmul.f32 v33, v2  }
0x14d: {  	v52 =	vld [tilespmem:s23+$0xA10];
	v46 =	vmul.f32 v55, v13;
	v10 =	vmul.f32 v12, v10  }
0x14e: {  	v48 =	vld [tilespmem:s23+$0x780];
	v59 =	vmul.f32 v57, v32;
	v47 =	vmul.f32 v56, v33  }
0x14f: {  	v50 =	vld [tilespmem:s23+$0x790];
	v58 =	vsub.f32 $1.500000000e+00, v46;
	v10 =	vmul.f32 v10, v12  }
0x150: {  	v51 =	vld [tilespmem:s23+$0x7A0];
	v60 =	vsub.f32 $1.500000000e+00, v59;
	v47 =	vsub.f32 $1.500000000e+00, v47  }
0x151: {  	v53 =	vld [tilespmem:s23+$0xCA0];
	v13 =	vmul.f32 v58, v13;
	v10 =	vsub.f32 $1.500000000e+00, v10  }
0x152: {  	v37 =	vld [tilespmem:s23+$0x500];
	v32 =	vmul.f32 v60, v32;
	v33 =	vmul.f32 v47, v33  }
0x153: {  	v35 =	vld [tilespmem:s23+$0x520];
	v4 =	vmul.f32 v13, v4;
	v10 =	vmul.f32 v10, v12  }
0x154: {  	s29 =	simm.s32 $0x16660;
	v39 =	vld [tilespmem:s23+$0x510];
	v2 =	vmul.f32 v33, v2  }
0x155: {  	s21 =	simm.s32 $0x168E0;
	v57 =	vld [tilespmem:s23+$0x1180];
	v3 =	vmul.f32 v32, v3;
	v4 =	vmul.f32 v4, v13;
	[tilespmem:s29+$0xFFFFFFE0] =	vst v10  }
0x156: {  	v2 =	vmul.f32 v2, v33;
	v58 =	vld [tilespmem:s21+$0xFFFFFFE0]  }
0x157: {  	v46 =	vld [tilespmem:s23+$0xA20];
	v4 =	vsub.f32 $1.500000000e+00, v4;
	v12 =	vmul.f32 v3, v32  }
0x158: {  	v56 =	vld [tilespmem:s23+$0xF20];
	v2 =	vsub.f32 $1.500000000e+00, v2  }
0x159: {  	v8 =	vadd.f32 v27, v8;
	v47 =	vld [tilespmem:s23+$0xC80];
	v3 =	vmul.f32 v4, v13;
	v4 =	vsub.f32 $1.500000000e+00, v12  }
0x15a: {  	v2 =	vmul.f32 v2, v33;
	v33 =	vld [tilespmem:s23+$0x1190]  }
0x15b: {  	v8 =	vadd.f32 v29, v8;
	v4 =	vmul.f32 v4, v32;
	v32 =	vld [tilespmem:s23+$0x11A0];
	s23 =	simm.s32 $0x80;
	v9 =	vmul.f32 v10, v58  }
0x15c: {  	v7 =	vadd.f32 v24, v7;
	v16 =	vadd.f32 v23, v16;
	v24 =	vld [tilespmem:s26+$0xFFFFF120];
	s30 =	sand.u32 $0x3C0, s23  }
0x15d: {  	[tilespmem:s21+$0xFFFFFFE0] =	vst v9;
	v9 =	vld [tilespmem:s30+$0xA080]  }
0x15e: {  	s22 =	simm.s32 $0x16620;
	v8 =	vadd.f32 v34, v8;
	v16 =	vadd.f32 v25, v16;
	v25 =	vld [tilespmem:s26+$0xFFFFF380]  }
0x15f: {  	s28 =	simm.s32 $0x168A0;
	v7 =	vadd.f32 v26, v7;
	[tilespmem:s22+$0xFFFFFFE0] =	vst v5;
	v18 =	vld [tilespmem:s30+$0xA300]  }
0x160: {  	v8 =	vadd.f32 v40, v8;
	v6 =	vld [tilespmem:s28+$0xFFFFFFE0]  }
0x161: {  	v17 =	vadd.f32 v19, v17;
	v7 =	vadd.f32 v30, v7;
	v27 =	vld [tilespmem:s30+$0xA580]  }
0x162: {  	v26 =	vld [tilespmem:s26+$0xFFFFF390];
	v20 =	vadd.f32 v21, v20;
	v9 =	vadd.f32 v9, v15  }
0x163: {  	v16 =	vadd.f32 v28, v16;
	v7 =	vadd.f32 v31, v7;
	v30 =	vld [tilespmem:s30+$0xA800]  }
0x164: {  	v19 =	vld [tilespmem:s26+$0xFFFFFB10];
	v17 =	vadd.f32 v22, v17;
	v9 =	vadd.f32 v18, v9  }
0x165: {  	v20 =	vadd.f32 v24, v20;
	v7 =	vadd.f32 v38, v7;
	v6 =	vmul.f32 v5, v6;
	v34 =	vld [tilespmem:s30+$0xAA80]  }
0x166: {  	v28 =	vld [tilespmem:s26+$0xFFFFF600];
	v16 =	vadd.f32 v36, v16;
	v9 =	vadd.f32 v27, v9  }
0x167: {  	s20 =	simm.s32 $0x16B20;
	v17 =	vadd.f32 v25, v17;
	v7 =	vadd.f32 v43, v7;
	[tilespmem:s28+$0xFFFFFFE0] =	vst v6;
	v40 =	vld [tilespmem:s30+$0xAD00]  }
0x168: {  	v8 =	vadd.f32 v41, v8;
	v6 =	vld [tilespmem:s20+$0xFFFFFFE0];
	v9 =	vadd.f32 v30, v9  }
0x169: {  	v16 =	vadd.f32 v42, v16;
	v7 =	vadd.f32 v37, v7;
	v43 =	vld [tilespmem:s30+$0xAF80]  }
0x16a: {  	v54 =	vld [tilespmem:s26+$0xFFFFFB00];
	v8 =	vadd.f32 v39, v8;
	v9 =	vadd.f32 v34, v9  }
0x16b: {  	v16 =	vadd.f32 v44, v16;
	v7 =	vadd.f32 v48, v7;
	v44 =	vld [tilespmem:s30+$0xB200]  }
0x16c: {  	v48 =	vld [tilespmem:s26+$0xFFFFF620];
	v8 =	vadd.f32 v50, v8;
	v9 =	vadd.f32 v40, v9  }
0x16d: {  	v17 =	vadd.f32 v28, v17;
	v16 =	vadd.f32 v35, v16;
	v59 =	vld [tilespmem:s30+$0xB480]  }
0x16e: {  	v50 =	vld [tilespmem:s26+$0xFFFFF880];
	v8 =	vadd.f32 v52, v8;
	v9 =	vadd.f32 v43, v9  }
0x16f: {  	v16 =	vadd.f32 v51, v16;
	v7 =	vadd.f32 v49, v7;
	v60 =	vld [tilespmem:s30+$0xB700]  }
0x170: {  	v51 =	vld [tilespmem:s26+$0xFFFFF890];
	v8 =	vadd.f32 v61, v8;
	v9 =	vadd.f32 v44, v9  }
0x171: {  	v16 =	vadd.f32 v46, v16;
	v7 =	vadd.f32 v47, v7;
	v61 =	vld [tilespmem:s30+$0xB980]  }
0x172: {  	v8 =	vadd.f32 v63, v8;
	v63 =	vld [tilespmem:s26+$0xFFFFF3A0];
	v9 =	vadd.f32 v59, v9  }
0x173: {  	v16 =	vadd.f32 v53, v16;
	v7 =	vadd.f32 v62, v7;
	v62 =	vld [tilespmem:s30+$0xBC00]  }
0x174: {  	v53 =	vld [tilespmem:s26+$0xFFFFF8A0];
	v17 =	vadd.f32 v50, v17;
	v9 =	vadd.f32 v60, v9  }
0x175: {  	v16 =	vadd.f32 v56, v16;
	v7 =	vadd.f32 v57, v7;
	v41 =	vld [tilespmem:s30+$0xBE80]  }
0x176: {  	v17 =	vadd.f32 v54, v17;
	v57 =	vld [tilespmem:s26+$0xFFFFFD80];
	v9 =	vadd.f32 v61, v9  }
0x177: {  	v42 =	vld [tilespmem:s30+$0xC100];
	v20 =	vadd.f32 v63, v20;
	v7 =	vadd.f32 $1.000000000e+00, v7  }
0x178: {  	v46 =	vld [tilespmem:s30+$0xC380];
	v8 =	vadd.f32 v33, v8;
	v9 =	vadd.f32 v62, v9  }
0x179: {  	v20 =	vadd.f32 v48, v20;
	v16 =	vadd.f32 v32, v16;
	v15 =	vld [tilespmem:s26+$0xFFFFEC10]  }
0x17a: {  	v8 =	vadd.f32 $1.000000000e+00, v8;
	v18 =	vld [tilespmem:s26+$0xFFFFEE90];
	v9 =	vadd.f32 v41, v9  }
0x17b: {  	v50 =	vld [tilespmem:s26+$0x790];
	v20 =	vadd.f32 v53, v20;
	v16 =	vadd.f32 $1.000000000e+00, v16  }
0x17c: {  	v58 =	vld [tilespmem:s26+$0xFFFFF110];
	v17 =	vadd.f32 v57, v17;
	v45 =	vshrl.u32 v8, $0x1;
	v9 =	vadd.f32 v42, v9  }
0x17d: {  	v54 =	vld [tilespmem:s26+$0xA20];
	[tilespmem:s22+$0xFFFFFFF0] =	vst v3;
	v8 =	vmul.f32 $5.000000000e-01, v8;
	v52 =	vshrl.u32 v16, $0x1;
	v16 =	vmul.f32 $5.000000000e-01, v16  }
0x17e: {  	v13 =	vld [tilespmem:s28+$0xFFFFFFF0];
	v43 =	vshrl.u32 v7, $0x1;
	v7 =	vmul.f32 $5.000000000e-01, v7;
	v9 =	vadd.f32 v46, v9  }
0x17f: {  	v63 =	vld [tilespmem:s26+$0x10];
	v33 =	vsub.s32 $0x5F3759DF, v45;
	v15 =	vadd.f32 v18, v15;
	v32 =	vsub.s32 $0x5F3759DF, v43  }
0x180: {  	[tilespmem:s22+$0x0] =	vst v2;
	v38 =	vsub.s32 $0x5F3759DF, v52;
	v44 =	vld [tilespmem:s26+$0xFFFFF610];
	v47 =	vmul.f32 v32, v7;
	v9 =	vadd.f32 $1.000000000e+00, v9  }
0x181: {  	v12 =	vld [tilespmem:s28+$0x0];
	v49 =	vmul.f32 v33, v8;
	v55 =	vmul.f32 v38, v16;
	v15 =	vadd.f32 v58, v15  }
0x182: {  	[tilespmem:s22+$0x10] =	vst v4;
	v18 =	vld [tilespmem:s26+$0xFFFFFB20];
	v35 =	vmul.f32 v32, v47;
	v58 =	vshrl.u32 v9, $0x1;
	v9 =	vmul.f32 $5.000000000e-01, v9  }
0x183: {  	v11 =	vld [tilespmem:s28+$0x10];
	v36 =	vmul.f32 v33, v49;
	v15 =	vadd.f32 v26, v15;
	v22 =	vsub.s32 $0x5F3759DF, v58  }
0x184: {  	v48 =	vld [tilespmem:s26+$0x520];
	v56 =	vmul.f32 v38, v55;
	v35 =	vsub.f32 $1.500000000e+00, v35;
	v61 =	vmul.f32 v22, v9  }
0x185: {  	v5 =	vmul.f32 v5, v6;
	v36 =	vsub.f32 $1.500000000e+00, v36;
	v60 =	vld [tilespmem:s26+$0xFFFFFDA0];
	v15 =	vadd.f32 v44, v15  }
0x186: {  	v59 =	vld [tilespmem:s26+$0xFFFFFD90];
	v32 =	vmul.f32 v32, v35;
	v35 =	vsub.f32 $1.500000000e+00, v56;
	v25 =	vmul.f32 v22, v61  }
0x187: {  	v33 =	vmul.f32 v33, v36;
	v40 =	vld [tilespmem:s26+$0x20];
	v18 =	vadd.f32 v18, v20;
	v15 =	vadd.f32 v51, v15  }
0x188: {  	v62 =	vld [tilespmem:s26+$0x0];
	v35 =	vmul.f32 v38, v35;
	v38 =	vmul.f32 v32, v7;
	v25 =	vsub.f32 $1.500000000e+00, v25  }
0x189: {  	v53 =	vld [tilespmem:s26+$0xA10];
	v13 =	vmul.f32 v3, v13;
	v15 =	vadd.f32 v19, v15;
	v41 =	vmul.f32 v33, v8  }
0x18a: {  	v45 =	vld [tilespmem:s26+$0x2A0];
	v18 =	vadd.f32 v60, v18;
	v27 =	vmul.f32 v38, v32;
	v22 =	vmul.f32 v22, v25  }
0x18b: {  	v43 =	vld [tilespmem:s26+$0x290];
	v44 =	vmul.f32 v35, v16;
	v15 =	vadd.f32 v59, v15;
	v29 =	vmul.f32 v41, v33  }
0x18c: {  	v51 =	vld [tilespmem:s26+$0x7A0];
	v18 =	vadd.f32 v40, v18;
	v27 =	vsub.f32 $1.500000000e+00, v27;
	v47 =	vmul.f32 v22, v9  }
0x18d: {  	v42 =	vld [tilespmem:s26+$0x280];
	v31 =	vmul.f32 v44, v35;
	v17 =	vadd.f32 v62, v17;
	v29 =	vsub.f32 $1.500000000e+00, v29  }
0x18e: {  	v19 =	vld [tilespmem:s26+$0x510];
	v15 =	vadd.f32 v63, v15;
	v27 =	vmul.f32 v27, v32;
	v20 =	vmul.f32 v47, v22  }
0x18f: {  	s22 =	simm.s32 $0x16B60;
	v18 =	vadd.f32 v45, v18;
	v46 =	vld [tilespmem:s26+$0x500];
	v31 =	vsub.f32 $1.500000000e+00, v31;
	v29 =	vmul.f32 v29, v33  }
0x190: {  	v14 =	vld [tilespmem:s22+$0xFFFFFFE0];
	v15 =	vadd.f32 v43, v15;
	v7 =	vmul.f32 v27, v7;
	v20 =	vsub.f32 $1.500000000e+00, v20  }
0x191: {  	v49 =	vld [tilespmem:s26+$0x780];
	v18 =	vadd.f32 v48, v18;
	v31 =	vmul.f32 v31, v35;
	v8 =	vmul.f32 v29, v8  }
0x192: {  	v52 =	vld [tilespmem:s26+$0xA00];
	v17 =	vadd.f32 v42, v17;
	v7 =	vmul.f32 v7, v27;
	v20 =	vmul.f32 v20, v22  }
0x193: {  	v55 =	vld [tilespmem:s26+$0xC80];
	v15 =	vadd.f32 v19, v15;
	v16 =	vmul.f32 v31, v16;
	v8 =	vmul.f32 v8, v29  }
0x194: {  	v56 =	vld [tilespmem:s26+$0xCA0];
	v18 =	vadd.f32 v51, v18;
	v17 =	vadd.f32 v46, v17;
	v9 =	vmul.f32 v20, v9  }
0x195: {  	v59 =	vld [tilespmem:s26+$0xF20];
	v7 =	vsub.f32 $1.500000000e+00, v7;
	v16 =	vmul.f32 v16, v31;
	v8 =	vsub.f32 $1.500000000e+00, v8  }
0x196: {  	v19 =	vld [tilespmem:s26+$0xC90];
	v15 =	vadd.f32 v50, v15;
	v17 =	vadd.f32 v49, v17;
	v57 =	vmul.f32 v9, v20  }
0x197: {  	[tilespmem:s20+$0xFFFFFFE0] =	vst v5;
	v58 =	vld [tilespmem:s26+$0xF00];
	v8 =	vmul.f32 v8, v29;
	v9 =	vmul.f32 v7, v27;
	v7 =	vsub.f32 $1.500000000e+00, v16  }
0x198: {  	[tilespmem:s28+$0xFFFFFFF0] =	vst v13;
	v17 =	vadd.f32 v52, v17;
	v16 =	vld [tilespmem:s26+$0xF10];
	v23 =	vsub.f32 $1.500000000e+00, v57  }
0x199: {  	v60 =	vadd.f32 v53, v15;
	v61 =	vld [tilespmem:s26+$0x1180];
	[tilespmem:s29+$0x0] =	vst v8;
	v7 =	vmul.f32 v7, v31  }
0x19a: {  	v62 =	vld [tilespmem:s26+$0x1190];
	v6 =	vadd.f32 v54, v18;
	v17 =	vadd.f32 v55, v17;
	[tilespmem:s29+$0xFFFFFFF0] =	vst v9;
	v15 =	vmul.f32 v23, v20  }
0x19b: {  	s30 =	simm.s32 $0x166A0;
	v5 =	vmul.f32 v2, v12;
	v18 =	vadd.f32 v19, v60;
	v19 =	vld [tilespmem:s26+$0x11A0];
	[tilespmem:s29+$0x10] =	vst v7  }
0x19c: {  	v6 =	vadd.f32 v56, v6;
	v17 =	vadd.f32 v58, v17;
	v63 =	vld [tilespmem:s21+$0xFFFFFFF0];
	s29 =	simm.s32 $0x16920;
	[tilespmem:s30+$0xFFFFFFE0] =	vst v15  }
0x19d: {  	[tilespmem:s28+$0x0] =	vst v5;
	v5 =	vmul.f32 v10, v14;
	v16 =	vadd.f32 v16, v18;
	v12 =	vld [tilespmem:s29+$0xFFFFFFE0]  }
0x19e: {  	v10 =	vld [tilespmem:s20+$0xFFFFFFF0];
	v17 =	vadd.f32 v61, v17;
	v18 =	vadd.f32 v59, v6  }
0x19f: {  	v13 =	vmul.f32 v4, v11;
	[tilespmem:s22+$0xFFFFFFE0] =	vst v5;
	v5 =	vld [tilespmem:s20+$0x0];
	v16 =	vadd.f32 v62, v16  }
0x1a0: {  	v11 =	vld [tilespmem:s21+$0x0];
	v14 =	vadd.f32 $1.000000000e+00, v17;
	v17 =	vadd.f32 v19, v18  }
0x1a1: {  	[tilespmem:s28+$0x10] =	vst v13;
	s28 =	simm.s32 $0x16B60;
	v6 =	vld [tilespmem:s21+$0x10];
	v13 =	vmul.f32 v9, v63;
	v16 =	vadd.f32 $1.000000000e+00, v16  }
.LBB2_8:
0x1a2: {  	s23 =	sadd.s32 $0x40, s23;
	v12 =	vmul.f32 v15, v12;
	v18 =	vshrl.u32 v14, $0x1;
	v17 =	vadd.f32 $1.000000000e+00, v17;
	s26 =	sadd.s32 $0x40, s26;
	v19 =	vld [tilespmem:s20+$0x10]  }
0x1a3: {  	v14 =	vmul.f32 $5.000000000e-01, v14;
	v20 =	vld [tilespmem:s26+$0xFFFFEBF0];
	s31 =	sand.u32 $0x3C0, s23;
	p0 =	slt.u32 s23, $0x240;
	v21 =	vshrl.u32 v16, $0x1;
	v16 =	vmul.f32 $5.000000000e-01, v16;
	[tilespmem:s21+$0xFFFFFFF0] =	vst v13  }
0x1a4: {  	s22 =	sadd.s32 $0x40, s22;
	v13 =	vld [tilespmem:s31+$0xA080];
	[tilespmem:s29+$0xFFFFFFE0] =	vst v12;
	v12 =	vsub.s32 $0x5F3759DF, v18;
	v18 =	vshrl.u32 v17, $0x1;
	v17 =	vmul.f32 $5.000000000e-01, v17  }
0x1a5: {  	v21 =	vsub.s32 $0x5F3759DF, v21;
	v22 =	vld [tilespmem:s22+$0xFFFFFFE0];
	v23 =	vmul.f32 v12, v14;
	v18 =	vsub.s32 $0x5F3759DF, v18  }
0x1a6: {  	v25 =	vmul.f32 v21, v16;
	v24 =	vld [tilespmem:s26+$0xFFFFEC00];
	v26 =	vmul.f32 v18, v17  }
0x1a7: {  	v11 =	vmul.f32 v8, v11;
	v27 =	vld [tilespmem:s31+$0xA300];
	v23 =	vmul.f32 v12, v23  }
0x1a8: {  	v25 =	vmul.f32 v21, v25;
	v28 =	vld [tilespmem:s26+$0xFFFFEE80];
	v26 =	vmul.f32 v18, v26  }
0x1a9: {  	v6 =	vmul.f32 v7, v6;
	v10 =	vmul.f32 v3, v10;
	v3 =	vmovc v9;
	v29 =	vld [tilespmem:s31+$0xA580];
	v23 =	vsub.f32 $1.500000000e+00, v23;
	[tilespmem:s21+$0x0] =	vst v11  }
0x1aa: {  	v9 =	vadd.f32 v13, v20;
	v11 =	vld [tilespmem:s26+$0xFFFFEC10];
	v13 =	vmul.f32 v15, v22;
	v15 =	vsub.f32 $1.500000000e+00, v25  }
0x1ab: {  	v5 =	vmul.f32 v2, v5;
	v2 =	vmovc v8;
	v22 =	vsub.f32 $1.500000000e+00, v26;
	v20 =	vld [tilespmem:s31+$0xA800];
	v12 =	vmul.f32 v12, v23;
	[tilespmem:s21+$0x10] =	vst v6;
	s21 =	smov.u32 s29  }
0x1ac: {  	v6 =	vadd.f32 v27, v9;
	v8 =	vld [tilespmem:s26+$0xFFFFEE90];
	[tilespmem:s22+$0xFFFFFFE0] =	vst v13;
	v9 =	vmul.f32 v21, v15;
	v13 =	vmul.f32 v4, v19  }
0x1ad: {  	v18 =	vmul.f32 v18, v22;
	v15 =	vld [tilespmem:s31+$0xAA80];
	v19 =	vadd.f32 v28, v24;
	v21 =	vmul.f32 v12, v14;
	[tilespmem:s20+$0xFFFFFFF0] =	vst v10  }
0x1ae: {  	v4 =	vmov v7;
	v6 =	vadd.f32 v29, v6;
	v10 =	vld [tilespmem:s26+$0xFFFFEC20];
	v22 =	vmul.f32 v9, v16;
	[tilespmem:s20+$0x0] =	vst v5  }
0x1af: {  	v5 =	vld [tilespmem:s31+$0xAD00];
	v7 =	vmul.f32 v21, v12;
	v21 =	vmul.f32 v18, v17;
	[tilespmem:s20+$0x10] =	vst v13;
	s20 =	smov.u32 s28;
	s28 =	smov.u32 s22  }
0x1b0: {  	v6 =	vadd.f32 v20, v6;
	v13 =	vld [tilespmem:s26+$0xFFFFEEA0];
	v20 =	vmul.f32 v22, v9  }
0x1b1: {  	v22 =	vld [tilespmem:s31+$0xAF80];
	v8 =	vadd.f32 v8, v11;
	v7 =	vsub.f32 $1.500000000e+00, v7;
	v11 =	vmul.f32 v21, v18  }
0x1b2: {  	v6 =	vadd.f32 v15, v6;
	v15 =	vld [tilespmem:s26+$0xFFFFF100];
	v20 =	vsub.f32 $1.500000000e+00, v20  }
0x1b3: {  	v21 =	vld [tilespmem:s31+$0xB200];
	v7 =	vmul.f32 v7, v12;
	v11 =	vsub.f32 $1.500000000e+00, v11  }
0x1b4: {  	v5 =	vadd.f32 v5, v6;
	v6 =	vld [tilespmem:s26+$0xFFFFF110];
	v12 =	vmul.f32 v20, v9  }
0x1b5: {  	v9 =	vld [tilespmem:s31+$0xB480];
	v10 =	vadd.f32 v13, v10;
	v13 =	vmul.f32 v7, v14;
	v11 =	vmul.f32 v11, v18  }
0x1b6: {  	v5 =	vadd.f32 v22, v5;
	v14 =	vld [tilespmem:s26+$0xFFFFF120];
	v16 =	vmul.f32 v12, v16  }
0x1b7: {  	v18 =	vld [tilespmem:s31+$0xB700];
	v15 =	vadd.f32 v15, v19;
	v13 =	vmul.f32 v13, v7;
	v17 =	vmul.f32 v11, v17  }
0x1b8: {  	v5 =	vadd.f32 v21, v5;
	v19 =	vld [tilespmem:s26+$0xFFFFF380];
	v16 =	vmul.f32 v16, v12  }
0x1b9: {  	v20 =	vld [tilespmem:s31+$0xB980];
	v6 =	vadd.f32 v6, v8;
	v8 =	vsub.f32 $1.500000000e+00, v13;
	v13 =	vmul.f32 v17, v11  }
0x1ba: {  	v5 =	vadd.f32 v9, v5;
	v17 =	vld [tilespmem:s26+$0xFFFFF390];
	v16 =	vsub.f32 $1.500000000e+00, v16  }
0x1bb: {  	v21 =	vld [tilespmem:s31+$0xBC00];
	v10 =	vadd.f32 v14, v10;
	v9 =	vmul.f32 v8, v7;
	v7 =	vsub.f32 $1.500000000e+00, v13  }
0x1bc: {  	v5 =	vadd.f32 v18, v5;
	v13 =	vld [tilespmem:s26+$0xFFFFF3A0];
	v8 =	vmul.f32 v16, v12  }
0x1bd: {  	v12 =	vld [tilespmem:s31+$0xBE80];
	v14 =	vadd.f32 v19, v15;
	[tilespmem:s30+$0xFFFFFFF0] =	vst v9;
	v7 =	vmul.f32 v7, v11  }
0x1be: {  	v5 =	vadd.f32 v20, v5;
	v11 =	vld [tilespmem:s26+$0xFFFFF600];
	[tilespmem:s30+$0x0] =	vst v8  }
0x1bf: {  	v15 =	vld [tilespmem:s31+$0xC100];
	v6 =	vadd.f32 v17, v6;
	[tilespmem:s30+$0x10] =	vst v7  }
0x1c0: {  	v5 =	vadd.f32 v21, v5;
	v16 =	vld [tilespmem:s26+$0xFFFFF610]  }
0x1c1: {  	v17 =	vld [tilespmem:s31+$0xC380];
	v10 =	vadd.f32 v13, v10  }
0x1c2: {  	v5 =	vadd.f32 v12, v5;
	v12 =	vld [tilespmem:s26+$0xFFFFF620]  }
0x1c3: {  	v11 =	vadd.f32 v11, v14;
	v13 =	vld [tilespmem:s26+$0xFFFFF880]  }
0x1c4: {  	v5 =	vadd.f32 v15, v5;
	v14 =	vld [tilespmem:s26+$0xFFFFF890]  }
0x1c5: {  	v6 =	vadd.f32 v16, v6;
	v15 =	vld [tilespmem:s26+$0xFFFFF8A0]  }
0x1c6: {  	v5 =	vadd.f32 v17, v5;
	v16 =	vld [tilespmem:s26+$0xFFFFFB00]  }
0x1c7: {  	v17 =	vld [tilespmem:s26+$0xFFFFFB10];
	v10 =	vadd.f32 v12, v10  }
0x1c8: {  	v5 =	vadd.f32 $1.000000000e+00, v5;
	v11 =	vadd.f32 v13, v11;
	v12 =	vld [tilespmem:s26+$0xFFFFFB20]  }
0x1c9: {  	v13 =	vld [tilespmem:s26+$0xFFFFFD80];
	v6 =	vadd.f32 v14, v6  }
0x1ca: {  	v14 =	vshrl.u32 v5, $0x1;
	v5 =	vmul.f32 $5.000000000e-01, v5;
	v18 =	vld [tilespmem:s26+$0xFFFFFD90];
	v10 =	vadd.f32 v15, v10  }
0x1cb: {  	v14 =	vsub.s32 $0x5F3759DF, v14;
	v11 =	vadd.f32 v16, v11;
	v15 =	vld [tilespmem:s26+$0xFFFFFDA0]  }
0x1cc: {  	v16 =	vmul.f32 v14, v5;
	v19 =	vld [tilespmem:s26+$0x0];
	v6 =	vadd.f32 v17, v6  }
0x1cd: {  	v17 =	vld [tilespmem:s26+$0x10];
	v10 =	vadd.f32 v12, v10  }
0x1ce: {  	v12 =	vmul.f32 v14, v16;
	v11 =	vadd.f32 v13, v11;
	v13 =	vld [tilespmem:s26+$0x20]  }
0x1cf: {  	v16 =	vld [tilespmem:s26+$0x280];
	v6 =	vadd.f32 v18, v6  }
0x1d0: {  	v12 =	vsub.f32 $1.500000000e+00, v12;
	v18 =	vld [tilespmem:s26+$0x290];
	v10 =	vadd.f32 v15, v10  }
0x1d1: {  	v11 =	vadd.f32 v19, v11;
	v15 =	vld [tilespmem:s26+$0x2A0]  }
0x1d2: {  	v12 =	vmul.f32 v14, v12;
	v14 =	vld [tilespmem:s26+$0x500];
	v6 =	vadd.f32 v17, v6  }
0x1d3: {  	v17 =	vld [tilespmem:s26+$0x510];
	v10 =	vadd.f32 v13, v10  }
0x1d4: {  	v13 =	vmul.f32 v12, v5;
	v11 =	vadd.f32 v16, v11;
	v16 =	vld [tilespmem:s26+$0x520]  }
0x1d5: {  	v19 =	vld [tilespmem:s26+$0x780];
	v6 =	vadd.f32 v18, v6  }
0x1d6: {  	v13 =	vmul.f32 v13, v12;
	v18 =	vld [tilespmem:s26+$0x790];
	v10 =	vadd.f32 v15, v10  }
0x1d7: {  	v11 =	vadd.f32 v14, v11;
	v14 =	vld [tilespmem:s26+$0x7A0]  }
0x1d8: {  	v13 =	vsub.f32 $1.500000000e+00, v13;
	v15 =	vld [tilespmem:s26+$0xA00];
	v6 =	vadd.f32 v17, v6  }
0x1d9: {  	v17 =	vld [tilespmem:s26+$0xA10];
	v10 =	vadd.f32 v16, v10  }
0x1da: {  	v12 =	vmul.f32 v13, v12;
	v11 =	vadd.f32 v19, v11;
	v13 =	vld [tilespmem:s26+$0xA20]  }
0x1db: {  	v16 =	vld [tilespmem:s26+$0xC80];
	v6 =	vadd.f32 v18, v6  }
0x1dc: {  	v5 =	vmul.f32 v12, v5;
	v18 =	vld [tilespmem:s26+$0xC90];
	v10 =	vadd.f32 v14, v10  }
0x1dd: {  	v11 =	vadd.f32 v15, v11;
	v14 =	vld [tilespmem:s26+$0xCA0]  }
0x1de: {  	v5 =	vmul.f32 v5, v12;
	v19 =	vld [tilespmem:s26+$0xF00];
	v6 =	vadd.f32 v17, v6  }
0x1df: {  	v17 =	vld [tilespmem:s26+$0xF10];
	v10 =	vadd.f32 v13, v10  }
0x1e0: {  	v5 =	vsub.f32 $1.500000000e+00, v5;
	v11 =	vadd.f32 v16, v11;
	v13 =	vld [tilespmem:s26+$0xF20]  }
0x1e1: {  	v16 =	vld [tilespmem:s26+$0x1180];
	v6 =	vadd.f32 v18, v6  }
0x1e2: {  	v15 =	vmul.f32 v5, v12;
	v5 =	vld [tilespmem:s26+$0x1190];
	v10 =	vadd.f32 v14, v10  }
0x1e3: {  	s30 =	sadd.s32 $0x40, s30;
	v11 =	vadd.f32 v19, v11;
	v18 =	vld [tilespmem:s26+$0x11A0]  }
0x1e4: {  	s29 =	sadd.s32 $0x40, s29;
	[tilespmem:s30+$0xFFFFFFE0] =	vst v15;
	v6 =	vadd.f32 v17, v6;
	v19 =	vld [tilespmem:s21+$0xFFFFFFF0]  }
.Ltmp3:
0x1e5: {  	v12 =	vld [tilespmem:s29+$0xFFFFFFE0];
	v10 =	vadd.f32 v13, v10;
	(pc) =	sbr.rel @p0 .LBB2_8-.Ltmp3, $4  }
0x1e6: {  	v13 =	vadd.f32 v16, v11;
	v11 =	vld [tilespmem:s21+$0x0]  }
0x1e7: {  	v5 =	vadd.f32 v5, v6;
	v6 =	vld [tilespmem:s21+$0x10]  }
0x1e8: {  	v14 =	vadd.f32 $1.000000000e+00, v13;
	v17 =	vadd.f32 v18, v10;
	v10 =	vld [tilespmem:s20+$0xFFFFFFF0]  }
0x1e9: {  	v16 =	vadd.f32 $1.000000000e+00, v5;
	v13 =	vmul.f32 v9, v19;
	v5 =	vld [tilespmem:s20+$0x0]  }
0x1ea: {  	v17 =	vadd.f32 $1.000000000e+00, v17  }
0x1eb: {  	v18 =	vshrl.u32 v14, $0x1;
	v58 =	vmul.f32 $5.000000000e-01, v14;
	v19 =	vshrl.u32 v16, $0x1  }
0x1ec: {  	v59 =	vmul.f32 $5.000000000e-01, v16;
	v18 =	vsub.s32 $0x5F3759DF, v18;
	v20 =	vshrl.u32 v17, $0x1  }
0x1ed: {  	v17 =	vmul.f32 $5.000000000e-01, v17;
	v21 =	vmul.f32 v18, v58;
	v19 =	vsub.s32 $0x5F3759DF, v19  }
0x1ee: {  	v20 =	vsub.s32 $0x5F3759DF, v20;
	v22 =	vmul.f32 v19, v59  }
0x1ef: {  	v23 =	vmul.f32 v20, v17;
	v21 =	vmul.f32 v18, v21  }
0x1f0: {  	v22 =	vmul.f32 v19, v22  }
0x1f1: {  	v23 =	vmul.f32 v20, v23;
	v21 =	vsub.f32 $1.500000000e+00, v21  }
0x1f2: {  	v22 =	vsub.f32 $1.500000000e+00, v22  }
0x1f3: {  	v18 =	vmul.f32 v18, v21;
	v60 =	vsub.f32 $1.500000000e+00, v23  }
0x1f4: {  	v19 =	vmul.f32 v19, v22  }
0x1f5: {  	v61 =	vmul.f32 v18, v58;
	v20 =	vmul.f32 v20, v60  }
0x1f6: {  	v62 =	vmul.f32 v19, v59  }
0x1f7: {  	v22 =	vmul.f32 v61, v18;
	v63 =	vmul.f32 v20, v17  }
0x1f8: {  	v21 =	vmul.f32 v62, v19  }
0x1f9: {  	v22 =	vsub.f32 $1.500000000e+00, v22;
	v23 =	vmul.f32 v63, v20  }
0x1fa: {  	v21 =	vsub.f32 $1.500000000e+00, v21  }
0x1fb: {  	v18 =	vmul.f32 v22, v18;
	v24 =	vsub.f32 $1.500000000e+00, v23  }
0x1fc: {  	v19 =	vmul.f32 v21, v19  }
0x1fd: {  	v14 =	vmul.f32 v18, v58;
	v20 =	vmul.f32 v24, v20  }
0x1fe: {  	v16 =	vmul.f32 v19, v59  }
0x1ff: {  	v14 =	vmul.f32 v14, v18;
	v17 =	vmul.f32 v20, v17  }
0x200: {  	v16 =	vmul.f32 v16, v19  }
0x201: {  	v14 =	vsub.f32 $1.500000000e+00, v14;
	v17 =	vmul.f32 v17, v20  }
0x202: {  	v16 =	vsub.f32 $1.500000000e+00, v16  }
0x203: {  	v25 =	vmul.f32 v14, v18;
	v26 =	vsub.f32 $1.500000000e+00, v17  }
0x204: {  	[tilespmem:s21+$0xFFFFFFF0] =	vst v13;
	v16 =	vmul.f32 v16, v19  }
0x205: {  	[tilespmem:s30+$0xFFFFFFF0] =	vst v25;
	v14 =	vmul.f32 v26, v20  }
0x206: {  	v12 =	vmul.f32 v15, v12;
	[tilespmem:s30+$0x0] =	vst v16;
	v28 =	vld [tilespmem:s29+$0xFFFFFFF0]  }
0x207: {  	v11 =	vmul.f32 v8, v11;
	[tilespmem:s30+$0x10] =	vst v14;
	v29 =	vld [tilespmem:s29+$0x0]  }
0x208: {  	[tilespmem:s29+$0xFFFFFFE0] =	vst v12;
	v6 =	vmul.f32 v7, v6;
	v30 =	vld [tilespmem:s29+$0x10]  }
0x209: {  	v32 =	vld [tilespmem:s20+$0x10];
	[tilespmem:s21+$0x0] =	vst v11;
	v3 =	vmul.f32 v3, v10  }
0x20a: {  	s22 =	sadd.s32 $0x40, s22;
	v33 =	vld [tilespmem:s28+$0xFFFFFFF0];
	[tilespmem:s21+$0x10] =	vst v6;
	v2 =	vmul.f32 v2, v5  }
0x20b: {  	v27 =	vld [tilespmem:s22+$0xFFFFFFE0];
	[tilespmem:s20+$0xFFFFFFF0] =	vst v3;
	v34 =	vmul.f32 v25, v28  }
0x20c: {  	v3 =	vld [tilespmem:s28+$0x0];
	[tilespmem:s20+$0x0] =	vst v2;
	v35 =	vmul.f32 v16, v29  }
0x20d: {  	v36 =	vld [tilespmem:s28+$0x10];
	[tilespmem:s29+$0xFFFFFFF0] =	vst v34;
	v37 =	vmul.f32 v14, v30  }
0x20e: {  	v4 =	vmul.f32 v4, v32;
	[tilespmem:s29+$0x0] =	vst v35;
	v38 =	vld [tilespmem:s22+$0xFFFFFFF0]  }
0x20f: {  	v2 =	vmul.f32 v9, v33;
	[tilespmem:s29+$0x10] =	vst v37;
	v39 =	vld [tilespmem:s22+$0x0]  }
0x210: {  	[tilespmem:s20+$0x10] =	vst v4;
	v31 =	vmul.f32 v15, v27;
	v40 =	vld [tilespmem:s22+$0x10]  }
0x211: {  	[tilespmem:s28+$0xFFFFFFF0] =	vst v2;
	v3 =	vmul.f32 v8, v3  }
0x212: {  	[tilespmem:s22+$0xFFFFFFE0] =	vst v31;
	v41 =	vmul.f32 v7, v36  }
0x213: {  	[tilespmem:s28+$0x0] =	vst v3;
	v2 =	vmul.f32 v25, v38  }
0x214: {  	[tilespmem:s28+$0x10] =	vst v41;
	v3 =	vmul.f32 v16, v39  }
0x215: {  	v42 =	vmul.f32 v14, v40;
	[tilespmem:s22+$0xFFFFFFF0] =	vst v2  }
0x216: {  	[tilespmem:s22+$0x0] =	vst v3  }
0x217: {  	[tilespmem:s22+$0x10] =	vst v42  }
0x218: {  	s20 =	rddreg [dreg:$0xf]  }
0x219: {  	[spmem:s20] =	stream.linear.scatter [tilespmem:s13], [sflag:$0x1], $0x280, $0x38;
	[tilespmem:$0x19A80] =	vst v63  }
0x21a: {  	_ =	swait.ge [sflag:s9], $0x280  }
0x21b: {  	[sflag:s9] =	ssyncset.done $0x0  }
0x21c: {  	s31 =	rddreg [dreg:$0x10];
	[sflag:s9] =	ssyncadd.s32 $0xFFFFFD80  }
0x21d: {  	[spmem:s31] =	stream.linear.scatter [tilespmem:s14], [sflag:$0x1], $0x280, $0x38;
	[tilespmem:$0x19A80] =	vst v63  }
0x21e: {  	_ =	swait.ge [sflag:s9], $0x280  }
0x21f: {  	[sflag:s9] =	ssyncset.done $0x0  }
0x220: {  	s22 =	simm.s32 $0x16600;
	s21 =	rddreg [dreg:$0x11];
	[sflag:s9] =	ssyncadd.s32 $0xFFFFFD80  }
0x221: {  	[hbm4b:s21+s11] =	stream.strided.scatter [tilespmem:s22], [sflag:$0x1], $0x280, s15, s11, $0x38;
	[tilespmem:$0x19A80] =	vst v63  }
0x222: {  	_ =	swait.ge [sflag:s9], $0x280  }
0x223: {  	[sflag:s9] =	ssyncset.done $0x0  }
0x224: {  	s23 =	rddreg [dreg:$0x12];
	[sflag:s9] =	ssyncadd.s32 $0xFFFFFD80  }
0x225: {  	[hbm4b:s23+s11] =	stream.strided.scatter [tilespmem:s13], [sflag:$0x1], $0x280, s15, s11, $0x38;
	[tilespmem:$0x19A80] =	vst v63  }
0x226: {  	_ =	swait.ge [sflag:s9], $0x280  }
0x227: {  	[sflag:s9] =	ssyncset.done $0x0  }
0x228: {  	s26 =	rddreg [dreg:$0x13];
	[sflag:s9] =	ssyncadd.s32 $0xFFFFFD80  }
0x229: {  	[hbm4b:s26+s11] =	stream.strided.scatter [tilespmem:s14], [sflag:$0x1], $0x280, s15, s11, $0x38;
	[tilespmem:$0x19A80] =	vst v63  }
0x22a: {  	_ =	swait.ge [sflag:s9], $0x280  }
0x22b: {  	[sflag:s9] =	ssyncset.done $0x0  }
0x22c: {  	[sflag:s9] =	ssyncadd.s32 $0xFFFFFD80  }
0x22d: {  	[bflag:$0x0] =	sbarrier.arrive $0xFFFF  }
0x22e: {  	s28 =	rddreg [dreg:$0x3]  }
0x22f: {  	[tilespmem:s16], [sflag:$0x1] =	stream.linear.gather [spmem:s28], $0x2800, $0x38;
	[tilespmem:$0x19A80] =	vst v63  }
0x230: {  	_ =	swait.ge [sflag:s9], $0x2800  }
0x231: {  	[sflag:s9] =	ssyncset.done $0x0  }
0x232: {  	[sflag:s9] =	ssyncadd.s32 $0xFFFFD800  }
0x233: {  	s29 =	rddreg [dreg:$0x4]  }
0x234: {  	[tilespmem:s5], [sflag:$0x1] =	stream.linear.gather [spmem:s29], $0x2800, $0x38;
	[tilespmem:$0x19A80] =	vst v63  }
0x235: {  	_ =	swait.ge [sflag:s9], $0x2800  }
0x236: {  	[sflag:s9] =	ssyncset.done $0x0  }
0x237: {  	s31 =	simm.s32 $0x4E80;
	s30 =	rddreg [dreg:$0x14];
	[sflag:s9] =	ssyncadd.s32 $0xFFFFD800  }
0x238: {  	[tilespmem:s31], [sflag:$0x1] =	stream.linear.gather [hbm4b:s30+s4], $0x2710, $0x38;
	[tilespmem:$0x19A80] =	vst v63  }
0x239: {  	_ =	swait.ge [sflag:s9], $0x2710  }
0x23a: {  	[sflag:s9] =	ssyncset.done $0x0  }
0x23b: {  	[sflag:s9] =	ssyncadd.s32 $0xFFFFD8F0  }
0x23c: {  	s20 =	simm.s32 $0x4EC0;
	v2 =	vld [tilespmem:s24+$0x0]  }
0x23d: {  	v3 =	vld [tilespmem:s20+$0x30]  }
0x23e: {  	v43 =	vld [tilespmem:s20+$0xFFFFFFD0]  }
0x23f: {  	v44 =	vld [tilespmem:s20+$0xFFFFFFE0]  }
0x240: {  	v45 =	vld [tilespmem:s20+$0xFFFFFFF0]  }
0x241: {  	v46 =	vld [tilespmem:s20+$0x0]  }
0x242: {  	v47 =	vld [tilespmem:s20+$0x10]  }
0x243: {  	v48 =	vld [tilespmem:s25+$0x30]  }
0x244: {  	v49 =	vld [tilespmem:s20+$0x20]  }
0x245: {  	v51 =	vld [tilespmem:s20+$0xFFFFFFC0]  }
0x246: {  	v59 =	vld [tilespmem:s25+$0xFFFFFFD0]  }
0x247: {  	v60 =	vld [tilespmem:s25+$0xFFFFFFE0]  }
0x248: {  	v61 =	vld [tilespmem:s25+$0x0]  }
0x249: {  	v62 =	vld [tilespmem:s25+$0x10]  }
0x24a: {  	v63 =	vld [tilespmem:s25+$0x20]  }
0x24b: {  	v50 =	vld.idx.msk [tilespmem:v3+s16+$0x0], $0xffff  }
0x24c: {  	v52 =	vld.idx.msk [tilespmem:v43+s16+$0x0], $0xffff  }
0x24d: {  	v53 =	vld.idx.msk [tilespmem:v44+s16+$0x0], $0xffff  }
0x24e: {  	v54 =	vld.idx.msk [tilespmem:v45+s16+$0x0], $0xffff  }
0x24f: {  	v57 =	vld.idx.msk [tilespmem:v51+s16+$0x0], $0xffff  }
0x250: {  	v55 =	vld.idx.msk [tilespmem:v46+s16+$0x0], $0xffff  }
0x251: {  	v56 =	vld.idx.msk [tilespmem:v47+s16+$0x0], $0xffff  }
0x252: {  	v58 =	vld.idx.msk [tilespmem:v49+s16+$0x0], $0xffff  }
0x253: {  	[tilespmem:v48+s17+$0x0] =	vst.idx.add.f32.msk $0xffff, v50  }
0x254: {  	[tilespmem:v2+s17+$0x0] =	vst.idx.add.f32.msk $0xffff, v57  }
0x255: {  	[tilespmem:v59+s17+$0x0] =	vst.idx.add.f32.msk $0xffff, v52  }
0x256: {  	[tilespmem:v60+s17+$0x0] =	vst.idx.add.f32.msk $0xffff, v53  }
0x257: {  	v3 =	vld.idx.msk [tilespmem:v3+s5+$0x0], $0xffff  }
0x258: {  	[tilespmem:v61+s17+$0x0] =	vst.idx.add.f32.msk $0xffff, v55  }
0x259: {  	[tilespmem:v62+s17+$0x0] =	vst.idx.add.f32.msk $0xffff, v56  }
0x25a: {  	[tilespmem:v63+s17+$0x0] =	vst.idx.add.f32.msk $0xffff, v58  }
0x25b: {  	v12 =	vld.idx.msk [tilespmem:v51+s5+$0x0], $0xffff  }
0x25c: {  	[tilespmem:v48+s18+$0x0] =	vst.idx.add.f32.msk $0xffff, v3  }
0x25d: {  	v3 =	vld [tilespmem:s25+$0xFFFFFFF0]  }
0x25e: {  	v4 =	vld.idx.msk [tilespmem:v43+s5+$0x0], $0xffff  }
0x25f: {  	v5 =	vld.idx.msk [tilespmem:v44+s5+$0x0], $0xffff  }
0x260: {  	v7 =	vld.idx.msk [tilespmem:v46+s5+$0x0], $0xffff  }
0x261: {  	v8 =	vld.idx.msk [tilespmem:v47+s5+$0x0], $0xffff  }
0x262: {  	v10 =	vld.idx.msk [tilespmem:v49+s5+$0x0], $0xffff  }
0x263: {  	[tilespmem:v2+s18+$0x0] =	vst.idx.add.f32.msk $0xffff, v12  }
0x264: {  	[tilespmem:v59+s18+$0x0] =	vst.idx.add.f32.msk $0xffff, v4  }
0x265: {  	[tilespmem:v3+s17+$0x0] =	vst.idx.add.f32.msk $0xffff, v54  }
0x266: {  	v6 =	vld.idx.msk [tilespmem:v45+s5+$0x0], $0xffff  }
0x267: {  	[tilespmem:v60+s18+$0x0] =	vst.idx.add.f32.msk $0xffff, v5  }
0x268: {  	[tilespmem:v61+s18+$0x0] =	vst.idx.add.f32.msk $0xffff, v7  }
0x269: {  	[tilespmem:v62+s18+$0x0] =	vst.idx.add.f32.msk $0xffff, v8  }
0x26a: {  	[tilespmem:v63+s18+$0x0] =	vst.idx.add.f32.msk $0xffff, v10  }
0x26b: {  	s21 =	simm.s32 $0x0;
	s22 =	sadd.s32 $0x80, s24;
	s23 =	smov.u32 s25;
	[tilespmem:v3+s18+$0x0] =	vst.idx.add.f32.msk $0xffff, v6  }
.LBB2_10:
0x26c: {  	v2 =	vld [tilespmem:s22+$0x0];
	s20 =	sadd.s32 $0x80, s20  }
0x26d: {  	s21 =	sadd.s32 $0x80, s21;
	v3 =	vld [tilespmem:s20+$0x30]  }
0x26e: {  	p0 =	slt.u32 s21, $0x2680;
	v4 =	vld [tilespmem:s20+$0xFFFFFFD0]  }
0x26f: {  	v5 =	vld [tilespmem:s20+$0xFFFFFFE0]  }
0x270: {  	v6 =	vld [tilespmem:s20+$0xFFFFFFF0]  }
0x271: {  	v7 =	vld [tilespmem:s20+$0x0]  }
0x272: {  	s23 =	sadd.s32 $0x80, s23;
	v8 =	vld [tilespmem:s20+$0x10]  }
0x273: {  	v9 =	vld [tilespmem:s23+$0x30]  }
0x274: {  	v10 =	vld [tilespmem:s20+$0x20]  }
0x275: {  	v11 =	vld.idx.msk [tilespmem:v3+s16+$0x0], $0xffff  }
0x276: {  	v12 =	vld [tilespmem:s20+$0xFFFFFFC0]  }
0x277: {  	v13 =	vld.idx.msk [tilespmem:v4+s16+$0x0], $0xffff  }
0x278: {  	v14 =	vld.idx.msk [tilespmem:v5+s16+$0x0], $0xffff  }
0x279: {  	v15 =	vld.idx.msk [tilespmem:v6+s16+$0x0], $0xffff  }
0x27a: {  	v16 =	vld.idx.msk [tilespmem:v7+s16+$0x0], $0xffff  }
0x27b: {  	[tilespmem:v9+s17+$0x0] =	vst.idx.add.f32.msk $0xffff, v11  }
0x27c: {  	v3 =	vld.idx.msk [tilespmem:v3+s5+$0x0], $0xffff  }
0x27d: {  	v11 =	vld.idx.msk [tilespmem:v8+s16+$0x0], $0xffff  }
0x27e: {  	v17 =	vld.idx.msk [tilespmem:v12+s16+$0x0], $0xffff  }
0x27f: {  	v18 =	vld.idx.msk [tilespmem:v10+s16+$0x0], $0xffff  }
0x280: {  	v19 =	vld [tilespmem:s23+$0xFFFFFFD0]  }
0x281: {  	v20 =	vld [tilespmem:s23+$0xFFFFFFE0]  }
0x282: {  	[tilespmem:v9+s18+$0x0] =	vst.idx.add.f32.msk $0xffff, v3  }
0x283: {  	v3 =	vld [tilespmem:s23+$0xFFFFFFF0]  }
0x284: {  	v9 =	vld [tilespmem:s23+$0x0]  }
0x285: {  	v21 =	vld [tilespmem:s23+$0x10]  }
0x286: {  	v22 =	vld [tilespmem:s23+$0x20]  }
0x287: {  	[tilespmem:v2+s17+$0x0] =	vst.idx.add.f32.msk $0xffff, v17  }
0x288: {  	[tilespmem:v19+s17+$0x0] =	vst.idx.add.f32.msk $0xffff, v13  }
0x289: {  	[tilespmem:v20+s17+$0x0] =	vst.idx.add.f32.msk $0xffff, v14  }
0x28a: {  	v12 =	vld.idx.msk [tilespmem:v12+s5+$0x0], $0xffff  }
0x28b: {  	[tilespmem:v3+s17+$0x0] =	vst.idx.add.f32.msk $0xffff, v15  }
0x28c: {  	[tilespmem:v9+s17+$0x0] =	vst.idx.add.f32.msk $0xffff, v16  }
0x28d: {  	[tilespmem:v21+s17+$0x0] =	vst.idx.add.f32.msk $0xffff, v11  }
0x28e: {  	[tilespmem:v22+s17+$0x0] =	vst.idx.add.f32.msk $0xffff, v18  }
0x28f: {  	v4 =	vld.idx.msk [tilespmem:v4+s5+$0x0], $0xffff  }
0x290: {  	v5 =	vld.idx.msk [tilespmem:v5+s5+$0x0], $0xffff  }
0x291: {  	v6 =	vld.idx.msk [tilespmem:v6+s5+$0x0], $0xffff  }
0x292: {  	v7 =	vld.idx.msk [tilespmem:v7+s5+$0x0], $0xffff  }
0x293: {  	v8 =	vld.idx.msk [tilespmem:v8+s5+$0x0], $0xffff  }
0x294: {  	v10 =	vld.idx.msk [tilespmem:v10+s5+$0x0], $0xffff  }
0x295: {  	[tilespmem:v2+s18+$0x0] =	vst.idx.add.f32.msk $0xffff, v12  }
0x296: {  	[tilespmem:v19+s18+$0x0] =	vst.idx.add.f32.msk $0xffff, v4  }
.Ltmp4:
0x297: {  	[tilespmem:v20+s18+$0x0] =	vst.idx.add.f32.msk $0xffff, v5;
	(pc) =	sbr.rel @p0 .LBB2_10-.Ltmp4, $4  }
0x298: {  	[tilespmem:v3+s18+$0x0] =	vst.idx.add.f32.msk $0xffff, v6  }
0x299: {  	[tilespmem:v9+s18+$0x0] =	vst.idx.add.f32.msk $0xffff, v7  }
0x29a: {  	[tilespmem:v21+s18+$0x0] =	vst.idx.add.f32.msk $0xffff, v8  }
0x29b: {  	s22 =	sadd.s32 $0x80, s22;
	[tilespmem:v22+s18+$0x0] =	vst.idx.add.f32.msk $0xffff, v10  }
0x29c: {  	v2 =	vld [tilespmem:$0x7580];
	_ =	sdelay $0x3  }
0x29d: {  	s20 =	rddreg [dreg:$0x6]  }
0x29e: {  	v3 =	vld [tilespmem:s20+$0x2700];
	_ =	sdelay $0x2  }
0x29f: {  	v4 =	vld.idx.msk [tilespmem:v2+s16+$0x0], $0xffff;
	_ =	sdelay $0x4  }
0x2a0: {  	[tilespmem:v3+s17+$0x0] =	vst.idx.add.f32.msk $0xffff, v4  }
0x2a1: {  	v2 =	vld.idx.msk [tilespmem:v2+s5+$0x0], $0xffff;
	_ =	sdelay $0x4  }
0x2a2: {  	s29 =	rddreg [dreg:$0x15];
	[tilespmem:v3+s18+$0x0] =	vst.idx.add.f32.msk $0xffff, v2  }
0x2a3: {  	[hbm4b:s29+s11] =	stream.strided.scatter [tilespmem:s17], [sflag:$0x1], $0x2800, s12, s11, $0x38;
	[tilespmem:$0x19A80] =	vst v63  }
0x2a4: {  	_ =	swait.ge [sflag:s9], $0x2800  }
0x2a5: {  	[sflag:s9] =	ssyncset.done $0x0  }
0x2a6: {  	s30 =	rddreg [dreg:$0x16];
	[sflag:s9] =	ssyncadd.s32 $0xFFFFD800  }
0x2a7: {  	[hbm4b:s30+s11] =	stream.strided.scatter [tilespmem:s18], [sflag:$0x1], $0x2800, s12, s11, $0x38;
	[tilespmem:$0x19A80] =	vst v63  }
0x2a8: {  	_ =	swait.ge [sflag:s9], $0x2800  }
0x2a9: {  	s19 =	sadd.s32 $0x1, s19;
	s31 =	rddreg [dreg:$0x17]  }
0x2aa: {  	p0 =	sne.s32 s19, s31  }
.Ltmp5:
0x2ab: {  	_ = 	snop;
	(pc) =	sbr.rel @p0 .LBB2_1-.Ltmp5, $3  }
0x2ac: {  	_ =	sdelay $0x1  }
0x2ad: {  	[sflag:s9] =	ssyncset.done $0x0  }
0x2ae: {  	[sflag:s9] =	ssyncadd.s32 $0xFFFFD800  }
0x2af: {  	_ =	sfence.sel $0x180000  }
0x2b0: {  	[bflag:$0x0] =	sbarrier.arrive $0xFFFF  }
0x2b1: {  	_ =	strace $0x90000047  }
0x2b2: {  	s0 =	stileid.u32;
	[bflag:$0x2] =	sbarrier.arrive $0xFFFF  }
0x2b3: {  	p0 =	sne.s32 s0, $0x0;
	s0 =	rddreg [dreg:$0x5]  }
0x2b4: {  	s0 =	sadd.s32 @!p0 $0x100000, s0  }
0x2b5: {  	[sflag:s0] =	ssyncadd.tile.s32 @!p0 $0x1;
	_ =	shalt  }
.Lfunc_end2:
_tile_overlayer_lowered:
.L_overlay_start_2:
0x2b6: {  	(tag) =	ssettag $0x2  }
0x2b7: {  	s0 =	rddreg [dreg:$0x0];
	s2 =	stileid.u32  }
0x2b8: {  	s1 =	rddreg [dreg:$0x1];
	p0 =	sne.s32 s2, $0x0  }
0x2b9: {  	s3 =	rddreg [dreg:$0x2];
	[bflag:$0x3] =	sbarrier.arrive $0xFFFF;
	s2 =	simm.s32 @!p0 $0x1C01  }
0x2ba: {  	[timem:s3], [sflag:s2] =	dma.local @!p0 [hbm:s0], s1  }
0x2bb: {  	s0 =	simm.s32 @!p0 $0x1  }
0x2bc: {  	_ =	swait.ge @!p0 [sflag:s0], s1  }
0x2bd: {  	s1 =	ssub.s32 @!p0 $0x0, s1;
	[sflag:s0] =	ssyncset.done @!p0 $0x0  }
0x2be: {  	[sflag:s0] =	ssyncadd.s32 @!p0 s1  }
0x2bf: {  	[bflag:$0x3] =	sbarrier.arrive $0xFFFF  }
0x2c0: {  	_ =	shalt  }

</sc_bundles>
